<compile_context>
chip_gen: v7x
topology: tpu7x:2x2x1
jax: 0.10.2.dev20260603
libtpu: 0.0.44.dev20260713+nightly
codegen_flags: <defaults>
</compile_context>

<pallas_src>
import functools

import jax
import jax.numpy as jnp
from jax import lax
from jax.experimental import pallas as pl
from jax.experimental.pallas import tpu as pltpu
from jax.experimental.pallas import tpu_sc as plsc

B = 16384
D = 64
M = 512
W = 2 * D
NB = M // W
NC, NS = 2, 16
NW = NC * NS
BPW = B // NW
CH = 128
NCH = BPW // CH


@functools.partial(
    pl.kernel,
    out_type=jax.ShapeDtypeStruct((B, M), jnp.float32),
    mesh=plsc.VectorSubcoreMesh(
        core_axis_name="c", subcore_axis_name="s",
        num_cores=NC, num_subcores=NS),
    scratch_types=[
        pltpu.VMEM((BPW,), jnp.int32),
        pltpu.VMEM((BPW, W), jnp.float32),
        pltpu.SemaphoreType.DMA,
        pltpu.SemaphoreType.DMA,
    ],
)
def _bias_expand(uids_hbm, bias2_hbm, out_hbm, idx_v, band_v, gsem, wsem):
    wid = lax.axis_index("s") * NC + lax.axis_index("c")
    base = wid * BPW
    pltpu.sync_copy(uids_hbm.at[pl.ds(base, BPW)], idx_v)

    gathers = [
        pltpu.async_copy(
            bias2_hbm.at[idx_v.at[pl.ds(c * CH, CH)]],
            band_v.at[pl.ds(c * CH, CH), :], gsem)
        for c in range(NCH)
    ]
    writes = []
    for c in range(NCH):
        gathers[c].wait()
        for h in range(NB):
            writes.append(pltpu.async_copy(
                band_v.at[pl.ds(c * CH, CH), :],
                out_hbm.at[pl.ds(base + c * CH, CH), pl.ds(h * W, W)],
                wsem))
    for d in writes:
        d.wait()


def kernel(inputs, cluster_map, bias):
    del cluster_map
    bias2 = jnp.broadcast_to(bias[:, None, :], (10000, 2, D)).reshape(10000, W)
    return _bias_expand(inputs[:, 0], bias2)

# --- scband reference (transcript-rebuilt; emitter-appended) ---
"""Pipeline reference for scband-user-cluster-bias-13984413516356 (READ-ONLY COPY).

The authoritative reference and input builder live on the scoring server;
editing this copy changes nothing except your own understanding.
"""

import jax, jax.numpy as jnp
import numpy as np

N_USERS = 10000
N_CLUSTERS = 64
N_MOVIES = 512
BATCH = 16384


def setup_inputs(seed: int = 0) -> dict:
    key = jax.random.key(seed)
    k1, k2 = jax.random.split(key)
    inputs = jax.random.randint(k1, (BATCH, 2), 0, N_USERS, dtype=jnp.int32)
    cluster_map = (jnp.arange(N_MOVIES) % N_CLUSTERS).astype(jnp.int32)
    bias = jax.random.normal(k2, (N_USERS, N_CLUSTERS), dtype=jnp.float32) * 0.01
    return {"inputs": inputs, "cluster_map": cluster_map, "bias": bias}


def reference(inputs, cluster_map, bias):
    # biases = transpose(gather(bias, inputs[:, 0])) -> [n_clusters, B]
    biases = jnp.transpose(jnp.take(bias, inputs[:, 0], axis=0))
    # movie_biases = transpose(gather(biases, cluster_map)) -> [B, n_movies]
    movie_biases = jnp.transpose(jnp.take(biases, cluster_map, axis=0))
    return movie_biases

if __name__ == "__main__":
    import jax
    _d = setup_inputs()
    print(jax.jit(kernel)(*tuple(_d.values())))

</pallas_src>

<mosaic_0001>
#map = affine_map<(d0, d1) -> (0)>
#map1 = affine_map<(d0, d1) -> (0, 0)>
module attributes {stable_mosaic.version = 14 : i64} {
  func.func @_bias_expand(%arg0: i32, %arg1: i32, %arg2: memref<16384xi32, #tpu.memory_space<hbm>>, %arg3: memref<10000x128xf32, #tpu.memory_space<hbm>>, %arg4: memref<16384x512xf32, #tpu.memory_space<hbm>>, %arg5: memref<512xi32, #tpu.memory_space<vmem>>, %arg6: memref<512x128xf32, #tpu.memory_space<vmem>>, %arg7: memref<!tpu.dma_semaphore, #tpu.memory_space<semaphore_mem>>, %arg8: memref<!tpu.dma_semaphore, #tpu.memory_space<semaphore_mem>>) attributes {dimension_semantics = [#tpu.dimension_semantics<core_parallel>, #tpu.dimension_semantics<subcore_parallel>], iteration_bounds = array<i64: 2, 16>, scalar_prefetch = 0 : i64, scratch_operands = 4 : i64, tpu.core_type = #tpu.core_type<sc_vector_subcore>, window_params = [{transform_indices = #map}, {transform_indices = #map1}, {transform_indices = #map1}]} {
    %mul3A = arith.constant 2 : i32
    %mul3A_0 = arith.muli %arg1, %mul3A : i32
    %add3A = arith.addi %mul3A_0, %arg0 : i32
    %mul3A_1 = arith.constant 512 : i32
    %mul3A_2 = arith.muli %add3A, %mul3A_1 : i32
    "tpu.region"() ({
      %run_scoped3A = tpu.sem_alloc : memref<!tpu.dma_semaphore, #tpu.memory_space<semaphore_mem>>
      %dma_start3A_417 = tpu.memref_slice %arg2[%mul3A_2] : memref<16384xi32, #tpu.memory_space<hbm>> -> memref<512xi32, #tpu.memory_space<hbm>>
      %dma_start3A_418 = tpu.memref_slice %arg2[%mul3A_2] : memref<16384xi32, #tpu.memory_space<hbm>> -> memref<512xi32, #tpu.memory_space<hbm>>
      tpu.enqueue_dma source(%dma_start3A_418 : memref<512xi32, #tpu.memory_space<hbm>>) target(%arg5 : memref<512xi32, #tpu.memory_space<vmem>>) target_semaphore(%run_scoped3A : memref<!tpu.dma_semaphore, #tpu.memory_space<semaphore_mem>>)
      %dma_wait3A_419 = tpu.memref_slice %arg2[%mul3A_2] : memref<16384xi32, #tpu.memory_space<hbm>> -> memref<512xi32, #tpu.memory_space<hbm>>
      %dma_wait3A_420 = tpu.memref_slice %arg2[%mul3A_2] : memref<16384xi32, #tpu.memory_space<hbm>> -> memref<512xi32, #tpu.memory_space<hbm>>
      tpu.wait_dma2 semaphore(%run_scoped3A : memref<!tpu.dma_semaphore, #tpu.memory_space<semaphore_mem>>) src(%dma_wait3A_420 : memref<512xi32, #tpu.memory_space<hbm>>) dst(%arg5 : memref<512xi32, #tpu.memory_space<vmem>>)
      tpu.yield
    }) : () -> ()
    %dma_start3A = arith.constant 0 : i32
    %dma_start3A_3 = arith.constant 0 : i32
    %dma_start3A_4 = tpu.memref_slice %arg6[%dma_start3A, %dma_start3A_3] : memref<512x128xf32, #tpu.memory_space<vmem>> -> memref<128x128xf32, #tpu.memory_space<vmem>>
    %dma_start3A_5 = arith.constant 0 : i32
    %dma_start3A_6 = tpu.memref_slice %arg5[%dma_start3A_5] : memref<512xi32, #tpu.memory_space<vmem>> -> memref<128xi32, #tpu.memory_space<vmem>>
    %dma_start3A_7 = arith.constant 0 : i32
    %dma_start3A_8 = arith.constant 0 : i32
    %dma_start3A_9 = tpu.memref_slice %arg3[%dma_start3A_7, %dma_start3A_8] : memref<10000x128xf32, #tpu.memory_space<hbm>> -> memref<10000x128xf32, #tpu.memory_space<hbm>>
    tpu.enqueue_indirect_dma source(%dma_start3A_9 : memref<10000x128xf32, #tpu.memory_space<hbm>>) target(%dma_start3A_4 : memref<128x128xf32, #tpu.memory_space<vmem>>) offsets(%dma_start3A_6 : memref<128xi32, #tpu.memory_space<vmem>>) semaphore(%arg7 : memref<!tpu.dma_semaphore, #tpu.memory_space<semaphore_mem>>)
    %dma_start3A_10 = arith.constant 128 : i32
    %dma_start3A_11 = arith.constant 0 : i32
    %dma_start3A_12 = tpu.memref_slice %arg6[%dma_start3A_10, %dma_start3A_11] : memref<512x128xf32, #tpu.memory_space<vmem>> -> memref<128x128xf32, #tpu.memory_space<vmem>>
    %dma_start3A_13 = arith.constant 128 : i32
    %dma_start3A_14 = tpu.memref_slice %arg5[%dma_start3A_13] : memref<512xi32, #tpu.memory_space<vmem>> -> memref<128xi32, #tpu.memory_space<vmem>>
    %dma_start3A_15 = arith.constant 0 : i32
    %dma_start3A_16 = arith.constant 0 : i32
    %dma_start3A_17 = tpu.memref_slice %arg3[%dma_start3A_15, %dma_start3A_16] : memref<10000x128xf32, #tpu.memory_space<hbm>> -> memref<10000x128xf32, #tpu.memory_space<hbm>>
    tpu.enqueue_indirect_dma source(%dma_start3A_17 : memref<10000x128xf32, #tpu.memory_space<hbm>>) target(%dma_start3A_12 : memref<128x128xf32, #tpu.memory_space<vmem>>) offsets(%dma_start3A_14 : memref<128xi32, #tpu.memory_space<vmem>>) semaphore(%arg7 : memref<!tpu.dma_semaphore, #tpu.memory_space<semaphore_mem>>)
    %dma_start3A_18 = arith.constant 256 : i32
    %dma_start3A_19 = arith.constant 0 : i32
    %dma_start3A_20 = tpu.memref_slice %arg6[%dma_start3A_18, %dma_start3A_19] : memref<512x128xf32, #tpu.memory_space<vmem>> -> memref<128x128xf32, #tpu.memory_space<vmem>>
    %dma_start3A_21 = arith.constant 256 : i32
    %dma_start3A_22 = tpu.memref_slice %arg5[%dma_start3A_21] : memref<512xi32, #tpu.memory_space<vmem>> -> memref<128xi32, #tpu.memory_space<vmem>>
    %dma_start3A_23 = arith.constant 0 : i32
    %dma_start3A_24 = arith.constant 0 : i32
    %dma_start3A_25 = tpu.memref_slice %arg3[%dma_start3A_23, %dma_start3A_24] : memref<10000x128xf32, #tpu.memory_space<hbm>> -> memref<10000x128xf32, #tpu.memory_space<hbm>>
    tpu.enqueue_indirect_dma source(%dma_start3A_25 : memref<10000x128xf32, #tpu.memory_space<hbm>>) target(%dma_start3A_20 : memref<128x128xf32, #tpu.memory_space<vmem>>) offsets(%dma_start3A_22 : memref<128xi32, #tpu.memory_space<vmem>>) semaphore(%arg7 : memref<!tpu.dma_semaphore, #tpu.memory_space<semaphore_mem>>)
    %dma_start3A_26 = arith.constant 384 : i32
    %dma_start3A_27 = arith.constant 0 : i32
    %dma_start3A_28 = tpu.memref_slice %arg6[%dma_start3A_26, %dma_start3A_27] : memref<512x128xf32, #tpu.memory_space<vmem>> -> memref<128x128xf32, #tpu.memory_space<vmem>>
    %dma_start3A_29 = arith.constant 384 : i32
    %dma_start3A_30 = tpu.memref_slice %arg5[%dma_start3A_29] : memref<512xi32, #tpu.memory_space<vmem>> -> memref<128xi32, #tpu.memory_space<vmem>>
    %dma_start3A_31 = arith.constant 0 : i32
    %dma_start3A_32 = arith.constant 0 : i32
    %dma_start3A_33 = tpu.memref_slice %arg3[%dma_start3A_31, %dma_start3A_32] : memref<10000x128xf32, #tpu.memory_space<hbm>> -> memref<10000x128xf32, #tpu.memory_space<hbm>>
    tpu.enqueue_indirect_dma source(%dma_start3A_33 : memref<10000x128xf32, #tpu.memory_space<hbm>>) target(%dma_start3A_28 : memref<128x128xf32, #tpu.memory_space<vmem>>) offsets(%dma_start3A_30 : memref<128xi32, #tpu.memory_space<vmem>>) semaphore(%arg7 : memref<!tpu.dma_semaphore, #tpu.memory_space<semaphore_mem>>)
    %dma_wait3A = arith.constant 0 : i32
    %dma_wait3A_34 = arith.constant 0 : i32
    %dma_wait3A_35 = tpu.memref_slice %arg6[%dma_wait3A, %dma_wait3A_34] : memref<512x128xf32, #tpu.memory_space<vmem>> -> memref<128x128xf32, #tpu.memory_space<vmem>>
    %dma_wait3A_36 = arith.constant 0 : i32
    %dma_wait3A_37 = tpu.memref_slice %arg5[%dma_wait3A_36] : memref<512xi32, #tpu.memory_space<vmem>> -> memref<128xi32, #tpu.memory_space<vmem>>
    %dma_wait3A_38 = arith.constant 0 : i32
    %dma_wait3A_39 = arith.constant 0 : i32
    %dma_wait3A_40 = tpu.memref_slice %arg3[%dma_wait3A_38, %dma_wait3A_39] : memref<10000x128xf32, #tpu.memory_space<hbm>> -> memref<10000x128xf32, #tpu.memory_space<hbm>>
    tpu.wait_indirect_dma semaphore(%arg7 : memref<!tpu.dma_semaphore, #tpu.memory_space<semaphore_mem>>) src(%dma_wait3A_40 : memref<10000x128xf32, #tpu.memory_space<hbm>>) dst(%dma_wait3A_35 : memref<128x128xf32, #tpu.memory_space<vmem>>)
    %add3A_41 = arith.constant 0 : i32
    %add3A_42 = arith.addi %mul3A_2, %add3A_41 : i32
    %dma_start3A_43 = arith.constant 0 : i32
    %dma_start3A_44 = arith.constant 0 : i32
    %dma_start3A_45 = tpu.memref_slice %arg6[%dma_start3A_43, %dma_start3A_44] : memref<512x128xf32, #tpu.memory_space<vmem>> -> memref<128x128xf32, #tpu.memory_space<vmem>>
    %dma_start3A_46 = arith.constant 0 : i32
    %dma_start3A_47 = tpu.memref_slice %arg4[%add3A_42, %dma_start3A_46] : memref<16384x512xf32, #tpu.memory_space<hbm>> -> memref<128x128xf32, #tpu.memory_space<hbm>>
    %dma_start3A_48 = arith.constant 0 : i32
    %dma_start3A_49 = tpu.memref_slice %arg4[%add3A_42, %dma_start3A_48] : memref<16384x512xf32, #tpu.memory_space<hbm>> -> memref<128x128xf32, #tpu.memory_space<hbm>>
    %dma_start3A_50 = arith.constant 0 : i32
    %dma_start3A_51 = arith.constant 0 : i32
    %dma_start3A_52 = tpu.memref_slice %arg6[%dma_start3A_50, %dma_start3A_51] : memref<512x128xf32, #tpu.memory_space<vmem>> -> memref<128x128xf32, #tpu.memory_space<vmem>>
    tpu.enqueue_dma source(%dma_start3A_52 : memref<128x128xf32, #tpu.memory_space<vmem>>) target(%dma_start3A_49 : memref<128x128xf32, #tpu.memory_space<hbm>>) target_semaphore(%arg8 : memref<!tpu.dma_semaphore, #tpu.memory_space<semaphore_mem>>)
    %add3A_53 = arith.constant 0 : i32
    %add3A_54 = arith.addi %mul3A_2, %add3A_53 : i32
    %dma_start3A_55 = arith.constant 0 : i32
    %dma_start3A_56 = arith.constant 0 : i32
    %dma_start3A_57 = tpu.memref_slice %arg6[%dma_start3A_55, %dma_start3A_56] : memref<512x128xf32, #tpu.memory_space<vmem>> -> memref<128x128xf32, #tpu.memory_space<vmem>>
    %dma_start3A_58 = arith.constant 128 : i32
    %dma_start3A_59 = tpu.memref_slice %arg4[%add3A_54, %dma_start3A_58] : memref<16384x512xf32, #tpu.memory_space<hbm>> -> memref<128x128xf32, #tpu.memory_space<hbm>>
    %dma_start3A_60 = arith.constant 128 : i32
    %dma_start3A_61 = tpu.memref_slice %arg4[%add3A_54, %dma_start3A_60] : memref<16384x512xf32, #tpu.memory_space<hbm>> -> memref<128x128xf32, #tpu.memory_space<hbm>>
    %dma_start3A_62 = arith.constant 0 : i32
    %dma_start3A_63 = arith.constant 0 : i32
    %dma_start3A_64 = tpu.memref_slice %arg6[%dma_start3A_62, %dma_start3A_63] : memref<512x128xf32, #tpu.memory_space<vmem>> -> memref<128x128xf32, #tpu.memory_space<vmem>>
    tpu.enqueue_dma source(%dma_start3A_64 : memref<128x128xf32, #tpu.memory_space<vmem>>) target(%dma_start3A_61 : memref<128x128xf32, #tpu.memory_space<hbm>>) target_semaphore(%arg8 : memref<!tpu.dma_semaphore, #tpu.memory_space<semaphore_mem>>)
    %add3A_65 = arith.constant 0 : i32
    %add3A_66 = arith.addi %mul3A_2, %add3A_65 : i32
    %dma_start3A_67 = arith.constant 0 : i32
    %dma_start3A_68 = arith.constant 0 : i32
    %dma_start3A_69 = tpu.memref_slice %arg6[%dma_start3A_67, %dma_start3A_68] : memref<512x128xf32, #tpu.memory_space<vmem>> -> memref<128x128xf32, #tpu.memory_space<vmem>>
    %dma_start3A_70 = arith.constant 256 : i32
    %dma_start3A_71 = tpu.memref_slice %arg4[%add3A_66, %dma_start3A_70] : memref<16384x512xf32, #tpu.memory_space<hbm>> -> memref<128x128xf32, #tpu.memory_space<hbm>>
    %dma_start3A_72 = arith.constant 256 : i32
    %dma_start3A_73 = tpu.memref_slice %arg4[%add3A_66, %dma_start3A_72] : memref<16384x512xf32, #tpu.memory_space<hbm>> -> memref<128x128xf32, #tpu.memory_space<hbm>>
    %dma_start3A_74 = arith.constant 0 : i32
    %dma_start3A_75 = arith.constant 0 : i32
    %dma_start3A_76 = tpu.memref_slice %arg6[%dma_start3A_74, %dma_start3A_75] : memref<512x128xf32, #tpu.memory_space<vmem>> -> memref<128x128xf32, #tpu.memory_space<vmem>>
    tpu.enqueue_dma source(%dma_start3A_76 : memref<128x128xf32, #tpu.memory_space<vmem>>) target(%dma_start3A_73 : memref<128x128xf32, #tpu.memory_space<hbm>>) target_semaphore(%arg8 : memref<!tpu.dma_semaphore, #tpu.memory_space<semaphore_mem>>)
    %add3A_77 = arith.constant 0 : i32
    %add3A_78 = arith.addi %mul3A_2, %add3A_77 : i32
    %dma_start3A_79 = arith.constant 0 : i32
    %dma_start3A_80 = arith.constant 0 : i32
    %dma_start3A_81 = tpu.memref_slice %arg6[%dma_start3A_79, %dma_start3A_80] : memref<512x128xf32, #tpu.memory_space<vmem>> -> memref<128x128xf32, #tpu.memory_space<vmem>>
    %dma_start3A_82 = arith.constant 384 : i32
    %dma_start3A_83 = tpu.memref_slice %arg4[%add3A_78, %dma_start3A_82] : memref<16384x512xf32, #tpu.memory_space<hbm>> -> memref<128x128xf32, #tpu.memory_space<hbm>>
    %dma_start3A_84 = arith.constant 384 : i32
    %dma_start3A_85 = tpu.memref_slice %arg4[%add3A_78, %dma_start3A_84] : memref<16384x512xf32, #tpu.memory_space<hbm>> -> memref<128x128xf32, #tpu.memory_space<hbm>>
    %dma_start3A_86 = arith.constant 0 : i32
    %dma_start3A_87 = arith.constant 0 : i32
    %dma_start3A_88 = tpu.memref_slice %arg6[%dma_start3A_86, %dma_start3A_87] : memref<512x128xf32, #tpu.memory_space<vmem>> -> memref<128x128xf32, #tpu.memory_space<vmem>>
    tpu.enqueue_dma source(%dma_start3A_88 : memref<128x128xf32, #tpu.memory_space<vmem>>) target(%dma_start3A_85 : memref<128x128xf32, #tpu.memory_space<hbm>>) target_semaphore(%arg8 : memref<!tpu.dma_semaphore, #tpu.memory_space<semaphore_mem>>)
    %dma_wait3A_89 = arith.constant 128 : i32
    %dma_wait3A_90 = arith.constant 0 : i32
    %dma_wait3A_91 = tpu.memref_slice %arg6[%dma_wait3A_89, %dma_wait3A_90] : memref<512x128xf32, #tpu.memory_space<vmem>> -> memref<128x128xf32, #tpu.memory_space<vmem>>
    %dma_wait3A_92 = arith.constant 128 : i32
    %dma_wait3A_93 = tpu.memref_slice %arg5[%dma_wait3A_92] : memref<512xi32, #tpu.memory_space<vmem>> -> memref<128xi32, #tpu.memory_space<vmem>>
    %dma_wait3A_94 = arith.constant 0 : i32
    %dma_wait3A_95 = arith.constant 0 : i32
    %dma_wait3A_96 = tpu.memref_slice %arg3[%dma_wait3A_94, %dma_wait3A_95] : memref<10000x128xf32, #tpu.memory_space<hbm>> -> memref<10000x128xf32, #tpu.memory_space<hbm>>
    tpu.wait_indirect_dma semaphore(%arg7 : memref<!tpu.dma_semaphore, #tpu.memory_space<semaphore_mem>>) src(%dma_wait3A_96 : memref<10000x128xf32, #tpu.memory_space<hbm>>) dst(%dma_wait3A_91 : memref<128x128xf32, #tpu.memory_space<vmem>>)
    %add3A_97 = arith.constant 128 : i32
    %add3A_98 = arith.addi %mul3A_2, %add3A_97 : i32
    %dma_start3A_99 = arith.constant 128 : i32
    %dma_start3A_100 = arith.constant 0 : i32
    %dma_start3A_101 = tpu.memref_slice %arg6[%dma_start3A_99, %dma_start3A_100] : memref<512x128xf32, #tpu.memory_space<vmem>> -> memref<128x128xf32, #tpu.memory_space<vmem>>
    %dma_start3A_102 = arith.constant 0 : i32
    %dma_start3A_103 = tpu.memref_slice %arg4[%add3A_98, %dma_start3A_102] : memref<16384x512xf32, #tpu.memory_space<hbm>> -> memref<128x128xf32, #tpu.memory_space<hbm>>
    %dma_start3A_104 = arith.constant 0 : i32
    %dma_start3A_105 = tpu.memref_slice %arg4[%add3A_98, %dma_start3A_104] : memref<16384x512xf32, #tpu.memory_space<hbm>> -> memref<128x128xf32, #tpu.memory_space<hbm>>
    %dma_start3A_106 = arith.constant 128 : i32
    %dma_start3A_107 = arith.constant 0 : i32
    %dma_start3A_108 = tpu.memref_slice %arg6[%dma_start3A_106, %dma_start3A_107] : memref<512x128xf32, #tpu.memory_space<vmem>> -> memref<128x128xf32, #tpu.memory_space<vmem>>
    tpu.enqueue_dma source(%dma_start3A_108 : memref<128x128xf32, #tpu.memory_space<vmem>>) target(%dma_start3A_105 : memref<128x128xf32, #tpu.memory_space<hbm>>) target_semaphore(%arg8 : memref<!tpu.dma_semaphore, #tpu.memory_space<semaphore_mem>>)
    %add3A_109 = arith.constant 128 : i32
    %add3A_110 = arith.addi %mul3A_2, %add3A_109 : i32
    %dma_start3A_111 = arith.constant 128 : i32
    %dma_start3A_112 = arith.constant 0 : i32
    %dma_start3A_113 = tpu.memref_slice %arg6[%dma_start3A_111, %dma_start3A_112] : memref<512x128xf32, #tpu.memory_space<vmem>> -> memref<128x128xf32, #tpu.memory_space<vmem>>
    %dma_start3A_114 = arith.constant 128 : i32
    %dma_start3A_115 = tpu.memref_slice %arg4[%add3A_110, %dma_start3A_114] : memref<16384x512xf32, #tpu.memory_space<hbm>> -> memref<128x128xf32, #tpu.memory_space<hbm>>
    %dma_start3A_116 = arith.constant 128 : i32
    %dma_start3A_117 = tpu.memref_slice %arg4[%add3A_110, %dma_start3A_116] : memref<16384x512xf32, #tpu.memory_space<hbm>> -> memref<128x128xf32, #tpu.memory_space<hbm>>
    %dma_start3A_118 = arith.constant 128 : i32
    %dma_start3A_119 = arith.constant 0 : i32
    %dma_start3A_120 = tpu.memref_slice %arg6[%dma_start3A_118, %dma_start3A_119] : memref<512x128xf32, #tpu.memory_space<vmem>> -> memref<128x128xf32, #tpu.memory_space<vmem>>
    tpu.enqueue_dma source(%dma_start3A_120 : memref<128x128xf32, #tpu.memory_space<vmem>>) target(%dma_start3A_117 : memref<128x128xf32, #tpu.memory_space<hbm>>) target_semaphore(%arg8 : memref<!tpu.dma_semaphore, #tpu.memory_space<semaphore_mem>>)
    %add3A_121 = arith.constant 128 : i32
    %add3A_122 = arith.addi %mul3A_2, %add3A_121 : i32
    %dma_start3A_123 = arith.constant 128 : i32
    %dma_start3A_124 = arith.constant 0 : i32
    %dma_start3A_125 = tpu.memref_slice %arg6[%dma_start3A_123, %dma_start3A_124] : memref<512x128xf32, #tpu.memory_space<vmem>> -> memref<128x128xf32, #tpu.memory_space<vmem>>
    %dma_start3A_126 = arith.constant 256 : i32
    %dma_start3A_127 = tpu.memref_slice %arg4[%add3A_122, %dma_start3A_126] : memref<16384x512xf32, #tpu.memory_space<hbm>> -> memref<128x128xf32, #tpu.memory_space<hbm>>
    %dma_start3A_128 = arith.constant 256 : i32
    %dma_start3A_129 = tpu.memref_slice %arg4[%add3A_122, %dma_start3A_128] : memref<16384x512xf32, #tpu.memory_space<hbm>> -> memref<128x128xf32, #tpu.memory_space<hbm>>
    %dma_start3A_130 = arith.constant 128 : i32
    %dma_start3A_131 = arith.constant 0 : i32
    %dma_start3A_132 = tpu.memref_slice %arg6[%dma_start3A_130, %dma_start3A_131] : memref<512x128xf32, #tpu.memory_space<vmem>> -> memref<128x128xf32, #tpu.memory_space<vmem>>
    tpu.enqueue_dma source(%dma_start3A_132 : memref<128x128xf32, #tpu.memory_space<vmem>>) target(%dma_start3A_129 : memref<128x128xf32, #tpu.memory_space<hbm>>) target_semaphore(%arg8 : memref<!tpu.dma_semaphore, #tpu.memory_space<semaphore_mem>>)
    %add3A_133 = arith.constant 128 : i32
    %add3A_134 = arith.addi %mul3A_2, %add3A_133 : i32
    %dma_start3A_135 = arith.constant 128 : i32
    %dma_start3A_136 = arith.constant 0 : i32
    %dma_start3A_137 = tpu.memref_slice %arg6[%dma_start3A_135, %dma_start3A_136] : memref<512x128xf32, #tpu.memory_space<vmem>> -> memref<128x128xf32, #tpu.memory_space<vmem>>
    %dma_start3A_138 = arith.constant 384 : i32
    %dma_start3A_139 = tpu.memref_slice %arg4[%add3A_134, %dma_start3A_138] : memref<16384x512xf32, #tpu.memory_space<hbm>> -> memref<128x128xf32, #tpu.memory_space<hbm>>
    %dma_start3A_140 = arith.constant 384 : i32
    %dma_start3A_141 = tpu.memref_slice %arg4[%add3A_134, %dma_start3A_140] : memref<16384x512xf32, #tpu.memory_space<hbm>> -> memref<128x128xf32, #tpu.memory_space<hbm>>
    %dma_start3A_142 = arith.constant 128 : i32
    %dma_start3A_143 = arith.constant 0 : i32
    %dma_start3A_144 = tpu.memref_slice %arg6[%dma_start3A_142, %dma_start3A_143] : memref<512x128xf32, #tpu.memory_space<vmem>> -> memref<128x128xf32, #tpu.memory_space<vmem>>
    tpu.enqueue_dma source(%dma_start3A_144 : memref<128x128xf32, #tpu.memory_space<vmem>>) target(%dma_start3A_141 : memref<128x128xf32, #tpu.memory_space<hbm>>) target_semaphore(%arg8 : memref<!tpu.dma_semaphore, #tpu.memory_space<semaphore_mem>>)
    %dma_wait3A_145 = arith.constant 256 : i32
    %dma_wait3A_146 = arith.constant 0 : i32
    %dma_wait3A_147 = tpu.memref_slice %arg6[%dma_wait3A_145, %dma_wait3A_146] : memref<512x128xf32, #tpu.memory_space<vmem>> -> memref<128x128xf32, #tpu.memory_space<vmem>>
    %dma_wait3A_148 = arith.constant 256 : i32
    %dma_wait3A_149 = tpu.memref_slice %arg5[%dma_wait3A_148] : memref<512xi32, #tpu.memory_space<vmem>> -> memref<128xi32, #tpu.memory_space<vmem>>
    %dma_wait3A_150 = arith.constant 0 : i32
    %dma_wait3A_151 = arith.constant 0 : i32
    %dma_wait3A_152 = tpu.memref_slice %arg3[%dma_wait3A_150, %dma_wait3A_151] : memref<10000x128xf32, #tpu.memory_space<hbm>> -> memref<10000x128xf32, #tpu.memory_space<hbm>>
    tpu.wait_indirect_dma semaphore(%arg7 : memref<!tpu.dma_semaphore, #tpu.memory_space<semaphore_mem>>) src(%dma_wait3A_152 : memref<10000x128xf32, #tpu.memory_space<hbm>>) dst(%dma_wait3A_147 : memref<128x128xf32, #tpu.memory_space<vmem>>)
    %add3A_153 = arith.constant 256 : i32
    %add3A_154 = arith.addi %mul3A_2, %add3A_153 : i32
    %dma_start3A_155 = arith.constant 256 : i32
    %dma_start3A_156 = arith.constant 0 : i32
    %dma_start3A_157 = tpu.memref_slice %arg6[%dma_start3A_155, %dma_start3A_156] : memref<512x128xf32, #tpu.memory_space<vmem>> -> memref<128x128xf32, #tpu.memory_space<vmem>>
    %dma_start3A_158 = arith.constant 0 : i32
    %dma_start3A_159 = tpu.memref_slice %arg4[%add3A_154, %dma_start3A_158] : memref<16384x512xf32, #tpu.memory_space<hbm>> -> memref<128x128xf32, #tpu.memory_space<hbm>>
    %dma_start3A_160 = arith.constant 0 : i32
    %dma_start3A_161 = tpu.memref_slice %arg4[%add3A_154, %dma_start3A_160] : memref<16384x512xf32, #tpu.memory_space<hbm>> -> memref<128x128xf32, #tpu.memory_space<hbm>>
    %dma_start3A_162 = arith.constant 256 : i32
    %dma_start3A_163 = arith.constant 0 : i32
    %dma_start3A_164 = tpu.memref_slice %arg6[%dma_start3A_162, %dma_start3A_163] : memref<512x128xf32, #tpu.memory_space<vmem>> -> memref<128x128xf32, #tpu.memory_space<vmem>>
    tpu.enqueue_dma source(%dma_start3A_164 : memref<128x128xf32, #tpu.memory_space<vmem>>) target(%dma_start3A_161 : memref<128x128xf32, #tpu.memory_space<hbm>>) target_semaphore(%arg8 : memref<!tpu.dma_semaphore, #tpu.memory_space<semaphore_mem>>)
    %add3A_165 = arith.constant 256 : i32
    %add3A_166 = arith.addi %mul3A_2, %add3A_165 : i32
    %dma_start3A_167 = arith.constant 256 : i32
    %dma_start3A_168 = arith.constant 0 : i32
    %dma_start3A_169 = tpu.memref_slice %arg6[%dma_start3A_167, %dma_start3A_168] : memref<512x128xf32, #tpu.memory_space<vmem>> -> memref<128x128xf32, #tpu.memory_space<vmem>>
    %dma_start3A_170 = arith.constant 128 : i32
    %dma_start3A_171 = tpu.memref_slice %arg4[%add3A_166, %dma_start3A_170] : memref<16384x512xf32, #tpu.memory_space<hbm>> -> memref<128x128xf32, #tpu.memory_space<hbm>>
    %dma_start3A_172 = arith.constant 128 : i32
    %dma_start3A_173 = tpu.memref_slice %arg4[%add3A_166, %dma_start3A_172] : memref<16384x512xf32, #tpu.memory_space<hbm>> -> memref<128x128xf32, #tpu.memory_space<hbm>>
    %dma_start3A_174 = arith.constant 256 : i32
    %dma_start3A_175 = arith.constant 0 : i32
    %dma_start3A_176 = tpu.memref_slice %arg6[%dma_start3A_174, %dma_start3A_175] : memref<512x128xf32, #tpu.memory_space<vmem>> -> memref<128x128xf32, #tpu.memory_space<vmem>>
    tpu.enqueue_dma source(%dma_start3A_176 : memref<128x128xf32, #tpu.memory_space<vmem>>) target(%dma_start3A_173 : memref<128x128xf32, #tpu.memory_space<hbm>>) target_semaphore(%arg8 : memref<!tpu.dma_semaphore, #tpu.memory_space<semaphore_mem>>)
    %add3A_177 = arith.constant 256 : i32
    %add3A_178 = arith.addi %mul3A_2, %add3A_177 : i32
    %dma_start3A_179 = arith.constant 256 : i32
    %dma_start3A_180 = arith.constant 0 : i32
    %dma_start3A_181 = tpu.memref_slice %arg6[%dma_start3A_179, %dma_start3A_180] : memref<512x128xf32, #tpu.memory_space<vmem>> -> memref<128x128xf32, #tpu.memory_space<vmem>>
    %dma_start3A_182 = arith.constant 256 : i32
    %dma_start3A_183 = tpu.memref_slice %arg4[%add3A_178, %dma_start3A_182] : memref<16384x512xf32, #tpu.memory_space<hbm>> -> memref<128x128xf32, #tpu.memory_space<hbm>>
    %dma_start3A_184 = arith.constant 256 : i32
    %dma_start3A_185 = tpu.memref_slice %arg4[%add3A_178, %dma_start3A_184] : memref<16384x512xf32, #tpu.memory_space<hbm>> -> memref<128x128xf32, #tpu.memory_space<hbm>>
    %dma_start3A_186 = arith.constant 256 : i32
    %dma_start3A_187 = arith.constant 0 : i32
    %dma_start3A_188 = tpu.memref_slice %arg6[%dma_start3A_186, %dma_start3A_187] : memref<512x128xf32, #tpu.memory_space<vmem>> -> memref<128x128xf32, #tpu.memory_space<vmem>>
    tpu.enqueue_dma source(%dma_start3A_188 : memref<128x128xf32, #tpu.memory_space<vmem>>) target(%dma_start3A_185 : memref<128x128xf32, #tpu.memory_space<hbm>>) target_semaphore(%arg8 : memref<!tpu.dma_semaphore, #tpu.memory_space<semaphore_mem>>)
    %add3A_189 = arith.constant 256 : i32
    %add3A_190 = arith.addi %mul3A_2, %add3A_189 : i32
    %dma_start3A_191 = arith.constant 256 : i32
    %dma_start3A_192 = arith.constant 0 : i32
    %dma_start3A_193 = tpu.memref_slice %arg6[%dma_start3A_191, %dma_start3A_192] : memref<512x128xf32, #tpu.memory_space<vmem>> -> memref<128x128xf32, #tpu.memory_space<vmem>>
    %dma_start3A_194 = arith.constant 384 : i32
    %dma_start3A_195 = tpu.memref_slice %arg4[%add3A_190, %dma_start3A_194] : memref<16384x512xf32, #tpu.memory_space<hbm>> -> memref<128x128xf32, #tpu.memory_space<hbm>>
    %dma_start3A_196 = arith.constant 384 : i32
    %dma_start3A_197 = tpu.memref_slice %arg4[%add3A_190, %dma_start3A_196] : memref<16384x512xf32, #tpu.memory_space<hbm>> -> memref<128x128xf32, #tpu.memory_space<hbm>>
    %dma_start3A_198 = arith.constant 256 : i32
    %dma_start3A_199 = arith.constant 0 : i32
    %dma_start3A_200 = tpu.memref_slice %arg6[%dma_start3A_198, %dma_start3A_199] : memref<512x128xf32, #tpu.memory_space<vmem>> -> memref<128x128xf32, #tpu.memory_space<vmem>>
    tpu.enqueue_dma source(%dma_start3A_200 : memref<128x128xf32, #tpu.memory_space<vmem>>) target(%dma_start3A_197 : memref<128x128xf32, #tpu.memory_space<hbm>>) target_semaphore(%arg8 : memref<!tpu.dma_semaphore, #tpu.memory_space<semaphore_mem>>)
    %dma_wait3A_201 = arith.constant 384 : i32
    %dma_wait3A_202 = arith.constant 0 : i32
    %dma_wait3A_203 = tpu.memref_slice %arg6[%dma_wait3A_201, %dma_wait3A_202] : memref<512x128xf32, #tpu.memory_space<vmem>> -> memref<128x128xf32, #tpu.memory_space<vmem>>
    %dma_wait3A_204 = arith.constant 384 : i32
    %dma_wait3A_205 = tpu.memref_slice %arg5[%dma_wait3A_204] : memref<512xi32, #tpu.memory_space<vmem>> -> memref<128xi32, #tpu.memory_space<vmem>>
    %dma_wait3A_206 = arith.constant 0 : i32
    %dma_wait3A_207 = arith.constant 0 : i32
    %dma_wait3A_208 = tpu.memref_slice %arg3[%dma_wait3A_206, %dma_wait3A_207] : memref<10000x128xf32, #tpu.memory_space<hbm>> -> memref<10000x128xf32, #tpu.memory_space<hbm>>
    tpu.wait_indirect_dma semaphore(%arg7 : memref<!tpu.dma_semaphore, #tpu.memory_space<semaphore_mem>>) src(%dma_wait3A_208 : memref<10000x128xf32, #tpu.memory_space<hbm>>) dst(%dma_wait3A_203 : memref<128x128xf32, #tpu.memory_space<vmem>>)
    %add3A_209 = arith.constant 384 : i32
    %add3A_210 = arith.addi %mul3A_2, %add3A_209 : i32
    %dma_start3A_211 = arith.constant 384 : i32
    %dma_start3A_212 = arith.constant 0 : i32
    %dma_start3A_213 = tpu.memref_slice %arg6[%dma_start3A_211, %dma_start3A_212] : memref<512x128xf32, #tpu.memory_space<vmem>> -> memref<128x128xf32, #tpu.memory_space<vmem>>
    %dma_start3A_214 = arith.constant 0 : i32
    %dma_start3A_215 = tpu.memref_slice %arg4[%add3A_210, %dma_start3A_214] : memref<16384x512xf32, #tpu.memory_space<hbm>> -> memref<128x128xf32, #tpu.memory_space<hbm>>
    %dma_start3A_216 = arith.constant 0 : i32
    %dma_start3A_217 = tpu.memref_slice %arg4[%add3A_210, %dma_start3A_216] : memref<16384x512xf32, #tpu.memory_space<hbm>> -> memref<128x128xf32, #tpu.memory_space<hbm>>
    %dma_start3A_218 = arith.constant 384 : i32
    %dma_start3A_219 = arith.constant 0 : i32
    %dma_start3A_220 = tpu.memref_slice %arg6[%dma_start3A_218, %dma_start3A_219] : memref<512x128xf32, #tpu.memory_space<vmem>> -> memref<128x128xf32, #tpu.memory_space<vmem>>
    tpu.enqueue_dma source(%dma_start3A_220 : memref<128x128xf32, #tpu.memory_space<vmem>>) target(%dma_start3A_217 : memref<128x128xf32, #tpu.memory_space<hbm>>) target_semaphore(%arg8 : memref<!tpu.dma_semaphore, #tpu.memory_space<semaphore_mem>>)
    %add3A_221 = arith.constant 384 : i32
    %add3A_222 = arith.addi %mul3A_2, %add3A_221 : i32
    %dma_start3A_223 = arith.constant 384 : i32
    %dma_start3A_224 = arith.constant 0 : i32
    %dma_start3A_225 = tpu.memref_slice %arg6[%dma_start3A_223, %dma_start3A_224] : memref<512x128xf32, #tpu.memory_space<vmem>> -> memref<128x128xf32, #tpu.memory_space<vmem>>
    %dma_start3A_226 = arith.constant 128 : i32
    %dma_start3A_227 = tpu.memref_slice %arg4[%add3A_222, %dma_start3A_226] : memref<16384x512xf32, #tpu.memory_space<hbm>> -> memref<128x128xf32, #tpu.memory_space<hbm>>
    %dma_start3A_228 = arith.constant 128 : i32
    %dma_start3A_229 = tpu.memref_slice %arg4[%add3A_222, %dma_start3A_228] : memref<16384x512xf32, #tpu.memory_space<hbm>> -> memref<128x128xf32, #tpu.memory_space<hbm>>
    %dma_start3A_230 = arith.constant 384 : i32
    %dma_start3A_231 = arith.constant 0 : i32
    %dma_start3A_232 = tpu.memref_slice %arg6[%dma_start3A_230, %dma_start3A_231] : memref<512x128xf32, #tpu.memory_space<vmem>> -> memref<128x128xf32, #tpu.memory_space<vmem>>
    tpu.enqueue_dma source(%dma_start3A_232 : memref<128x128xf32, #tpu.memory_space<vmem>>) target(%dma_start3A_229 : memref<128x128xf32, #tpu.memory_space<hbm>>) target_semaphore(%arg8 : memref<!tpu.dma_semaphore, #tpu.memory_space<semaphore_mem>>)
    %add3A_233 = arith.constant 384 : i32
    %add3A_234 = arith.addi %mul3A_2, %add3A_233 : i32
    %dma_start3A_235 = arith.constant 384 : i32
    %dma_start3A_236 = arith.constant 0 : i32
    %dma_start3A_237 = tpu.memref_slice %arg6[%dma_start3A_235, %dma_start3A_236] : memref<512x128xf32, #tpu.memory_space<vmem>> -> memref<128x128xf32, #tpu.memory_space<vmem>>
    %dma_start3A_238 = arith.constant 256 : i32
    %dma_start3A_239 = tpu.memref_slice %arg4[%add3A_234, %dma_start3A_238] : memref<16384x512xf32, #tpu.memory_space<hbm>> -> memref<128x128xf32, #tpu.memory_space<hbm>>
    %dma_start3A_240 = arith.constant 256 : i32
    %dma_start3A_241 = tpu.memref_slice %arg4[%add3A_234, %dma_start3A_240] : memref<16384x512xf32, #tpu.memory_space<hbm>> -> memref<128x128xf32, #tpu.memory_space<hbm>>
    %dma_start3A_242 = arith.constant 384 : i32
    %dma_start3A_243 = arith.constant 0 : i32
    %dma_start3A_244 = tpu.memref_slice %arg6[%dma_start3A_242, %dma_start3A_243] : memref<512x128xf32, #tpu.memory_space<vmem>> -> memref<128x128xf32, #tpu.memory_space<vmem>>
    tpu.enqueue_dma source(%dma_start3A_244 : memref<128x128xf32, #tpu.memory_space<vmem>>) target(%dma_start3A_241 : memref<128x128xf32, #tpu.memory_space<hbm>>) target_semaphore(%arg8 : memref<!tpu.dma_semaphore, #tpu.memory_space<semaphore_mem>>)
    %add3A_245 = arith.constant 384 : i32
    %add3A_246 = arith.addi %mul3A_2, %add3A_245 : i32
    %dma_start3A_247 = arith.constant 384 : i32
    %dma_start3A_248 = arith.constant 0 : i32
    %dma_start3A_249 = tpu.memref_slice %arg6[%dma_start3A_247, %dma_start3A_248] : memref<512x128xf32, #tpu.memory_space<vmem>> -> memref<128x128xf32, #tpu.memory_space<vmem>>
    %dma_start3A_250 = arith.constant 384 : i32
    %dma_start3A_251 = tpu.memref_slice %arg4[%add3A_246, %dma_start3A_250] : memref<16384x512xf32, #tpu.memory_space<hbm>> -> memref<128x128xf32, #tpu.memory_space<hbm>>
    %dma_start3A_252 = arith.constant 384 : i32
    %dma_start3A_253 = tpu.memref_slice %arg4[%add3A_246, %dma_start3A_252] : memref<16384x512xf32, #tpu.memory_space<hbm>> -> memref<128x128xf32, #tpu.memory_space<hbm>>
    %dma_start3A_254 = arith.constant 384 : i32
    %dma_start3A_255 = arith.constant 0 : i32
    %dma_start3A_256 = tpu.memref_slice %arg6[%dma_start3A_254, %dma_start3A_255] : memref<512x128xf32, #tpu.memory_space<vmem>> -> memref<128x128xf32, #tpu.memory_space<vmem>>
    tpu.enqueue_dma source(%dma_start3A_256 : memref<128x128xf32, #tpu.memory_space<vmem>>) target(%dma_start3A_253 : memref<128x128xf32, #tpu.memory_space<hbm>>) target_semaphore(%arg8 : memref<!tpu.dma_semaphore, #tpu.memory_space<semaphore_mem>>)
    %dma_wait3A_257 = arith.constant 0 : i32
    %dma_wait3A_258 = arith.constant 0 : i32
    %dma_wait3A_259 = tpu.memref_slice %arg6[%dma_wait3A_257, %dma_wait3A_258] : memref<512x128xf32, #tpu.memory_space<vmem>> -> memref<128x128xf32, #tpu.memory_space<vmem>>
    %dma_wait3A_260 = arith.constant 0 : i32
    %dma_wait3A_261 = tpu.memref_slice %arg4[%add3A_42, %dma_wait3A_260] : memref<16384x512xf32, #tpu.memory_space<hbm>> -> memref<128x128xf32, #tpu.memory_space<hbm>>
    %dma_wait3A_262 = arith.constant 0 : i32
    %dma_wait3A_263 = tpu.memref_slice %arg4[%add3A_42, %dma_wait3A_262] : memref<16384x512xf32, #tpu.memory_space<hbm>> -> memref<128x128xf32, #tpu.memory_space<hbm>>
    %dma_wait3A_264 = arith.constant 0 : i32
    %dma_wait3A_265 = arith.constant 0 : i32
    %dma_wait3A_266 = tpu.memref_slice %arg6[%dma_wait3A_264, %dma_wait3A_265] : memref<512x128xf32, #tpu.memory_space<vmem>> -> memref<128x128xf32, #tpu.memory_space<vmem>>
    tpu.wait_dma2 semaphore(%arg8 : memref<!tpu.dma_semaphore, #tpu.memory_space<semaphore_mem>>) src(%dma_wait3A_266 : memref<128x128xf32, #tpu.memory_space<vmem>>) dst(%dma_wait3A_263 : memref<128x128xf32, #tpu.memory_space<hbm>>)
    %dma_wait3A_267 = arith.constant 0 : i32
    %dma_wait3A_268 = arith.constant 0 : i32
    %dma_wait3A_269 = tpu.memref_slice %arg6[%dma_wait3A_267, %dma_wait3A_268] : memref<512x128xf32, #tpu.memory_space<vmem>> -> memref<128x128xf32, #tpu.memory_space<vmem>>
    %dma_wait3A_270 = arith.constant 128 : i32
    %dma_wait3A_271 = tpu.memref_slice %arg4[%add3A_54, %dma_wait3A_270] : memref<16384x512xf32, #tpu.memory_space<hbm>> -> memref<128x128xf32, #tpu.memory_space<hbm>>
    %dma_wait3A_272 = arith.constant 128 : i32
    %dma_wait3A_273 = tpu.memref_slice %arg4[%add3A_54, %dma_wait3A_272] : memref<16384x512xf32, #tpu.memory_space<hbm>> -> memref<128x128xf32, #tpu.memory_space<hbm>>
    %dma_wait3A_274 = arith.constant 0 : i32
    %dma_wait3A_275 = arith.constant 0 : i32
    %dma_wait3A_276 = tpu.memref_slice %arg6[%dma_wait3A_274, %dma_wait3A_275] : memref<512x128xf32, #tpu.memory_space<vmem>> -> memref<128x128xf32, #tpu.memory_space<vmem>>
    tpu.wait_dma2 semaphore(%arg8 : memref<!tpu.dma_semaphore, #tpu.memory_space<semaphore_mem>>) src(%dma_wait3A_276 : memref<128x128xf32, #tpu.memory_space<vmem>>) dst(%dma_wait3A_273 : memref<128x128xf32, #tpu.memory_space<hbm>>)
    %dma_wait3A_277 = arith.constant 0 : i32
    %dma_wait3A_278 = arith.constant 0 : i32
    %dma_wait3A_279 = tpu.memref_slice %arg6[%dma_wait3A_277, %dma_wait3A_278] : memref<512x128xf32, #tpu.memory_space<vmem>> -> memref<128x128xf32, #tpu.memory_space<vmem>>
    %dma_wait3A_280 = arith.constant 256 : i32
    %dma_wait3A_281 = tpu.memref_slice %arg4[%add3A_66, %dma_wait3A_280] : memref<16384x512xf32, #tpu.memory_space<hbm>> -> memref<128x128xf32, #tpu.memory_space<hbm>>
    %dma_wait3A_282 = arith.constant 256 : i32
    %dma_wait3A_283 = tpu.memref_slice %arg4[%add3A_66, %dma_wait3A_282] : memref<16384x512xf32, #tpu.memory_space<hbm>> -> memref<128x128xf32, #tpu.memory_space<hbm>>
    %dma_wait3A_284 = arith.constant 0 : i32
    %dma_wait3A_285 = arith.constant 0 : i32
    %dma_wait3A_286 = tpu.memref_slice %arg6[%dma_wait3A_284, %dma_wait3A_285] : memref<512x128xf32, #tpu.memory_space<vmem>> -> memref<128x128xf32, #tpu.memory_space<vmem>>
    tpu.wait_dma2 semaphore(%arg8 : memref<!tpu.dma_semaphore, #tpu.memory_space<semaphore_mem>>) src(%dma_wait3A_286 : memref<128x128xf32, #tpu.memory_space<vmem>>) dst(%dma_wait3A_283 : memref<128x128xf32, #tpu.memory_space<hbm>>)
    %dma_wait3A_287 = arith.constant 0 : i32
    %dma_wait3A_288 = arith.constant 0 : i32
    %dma_wait3A_289 = tpu.memref_slice %arg6[%dma_wait3A_287, %dma_wait3A_288] : memref<512x128xf32, #tpu.memory_space<vmem>> -> memref<128x128xf32, #tpu.memory_space<vmem>>
    %dma_wait3A_290 = arith.constant 384 : i32
    %dma_wait3A_291 = tpu.memref_slice %arg4[%add3A_78, %dma_wait3A_290] : memref<16384x512xf32, #tpu.memory_space<hbm>> -> memref<128x128xf32, #tpu.memory_space<hbm>>
    %dma_wait3A_292 = arith.constant 384 : i32
    %dma_wait3A_293 = tpu.memref_slice %arg4[%add3A_78, %dma_wait3A_292] : memref<16384x512xf32, #tpu.memory_space<hbm>> -> memref<128x128xf32, #tpu.memory_space<hbm>>
    %dma_wait3A_294 = arith.constant 0 : i32
    %dma_wait3A_295 = arith.constant 0 : i32
    %dma_wait3A_296 = tpu.memref_slice %arg6[%dma_wait3A_294, %dma_wait3A_295] : memref<512x128xf32, #tpu.memory_space<vmem>> -> memref<128x128xf32, #tpu.memory_space<vmem>>
    tpu.wait_dma2 semaphore(%arg8 : memref<!tpu.dma_semaphore, #tpu.memory_space<semaphore_mem>>) src(%dma_wait3A_296 : memref<128x128xf32, #tpu.memory_space<vmem>>) dst(%dma_wait3A_293 : memref<128x128xf32, #tpu.memory_space<hbm>>)
    %dma_wait3A_297 = arith.constant 128 : i32
    %dma_wait3A_298 = arith.constant 0 : i32
    %dma_wait3A_299 = tpu.memref_slice %arg6[%dma_wait3A_297, %dma_wait3A_298] : memref<512x128xf32, #tpu.memory_space<vmem>> -> memref<128x128xf32, #tpu.memory_space<vmem>>
    %dma_wait3A_300 = arith.constant 0 : i32
    %dma_wait3A_301 = tpu.memref_slice %arg4[%add3A_98, %dma_wait3A_300] : memref<16384x512xf32, #tpu.memory_space<hbm>> -> memref<128x128xf32, #tpu.memory_space<hbm>>
    %dma_wait3A_302 = arith.constant 0 : i32
    %dma_wait3A_303 = tpu.memref_slice %arg4[%add3A_98, %dma_wait3A_302] : memref<16384x512xf32, #tpu.memory_space<hbm>> -> memref<128x128xf32, #tpu.memory_space<hbm>>
    %dma_wait3A_304 = arith.constant 128 : i32
    %dma_wait3A_305 = arith.constant 0 : i32
    %dma_wait3A_306 = tpu.memref_slice %arg6[%dma_wait3A_304, %dma_wait3A_305] : memref<512x128xf32, #tpu.memory_space<vmem>> -> memref<128x128xf32, #tpu.memory_space<vmem>>
    tpu.wait_dma2 semaphore(%arg8 : memref<!tpu.dma_semaphore, #tpu.memory_space<semaphore_mem>>) src(%dma_wait3A_306 : memref<128x128xf32, #tpu.memory_space<vmem>>) dst(%dma_wait3A_303 : memref<128x128xf32, #tpu.memory_space<hbm>>)
    %dma_wait3A_307 = arith.constant 128 : i32
    %dma_wait3A_308 = arith.constant 0 : i32
    %dma_wait3A_309 = tpu.memref_slice %arg6[%dma_wait3A_307, %dma_wait3A_308] : memref<512x128xf32, #tpu.memory_space<vmem>> -> memref<128x128xf32, #tpu.memory_space<vmem>>
    %dma_wait3A_310 = arith.constant 128 : i32
    %dma_wait3A_311 = tpu.memref_slice %arg4[%add3A_110, %dma_wait3A_310] : memref<16384x512xf32, #tpu.memory_space<hbm>> -> memref<128x128xf32, #tpu.memory_space<hbm>>
    %dma_wait3A_312 = arith.constant 128 : i32
    %dma_wait3A_313 = tpu.memref_slice %arg4[%add3A_110, %dma_wait3A_312] : memref<16384x512xf32, #tpu.memory_space<hbm>> -> memref<128x128xf32, #tpu.memory_space<hbm>>
    %dma_wait3A_314 = arith.constant 128 : i32
    %dma_wait3A_315 = arith.constant 0 : i32
    %dma_wait3A_316 = tpu.memref_slice %arg6[%dma_wait3A_314, %dma_wait3A_315] : memref<512x128xf32, #tpu.memory_space<vmem>> -> memref<128x128xf32, #tpu.memory_space<vmem>>
    tpu.wait_dma2 semaphore(%arg8 : memref<!tpu.dma_semaphore, #tpu.memory_space<semaphore_mem>>) src(%dma_wait3A_316 : memref<128x128xf32, #tpu.memory_space<vmem>>) dst(%dma_wait3A_313 : memref<128x128xf32, #tpu.memory_space<hbm>>)
    %dma_wait3A_317 = arith.constant 128 : i32
    %dma_wait3A_318 = arith.constant 0 : i32
    %dma_wait3A_319 = tpu.memref_slice %arg6[%dma_wait3A_317, %dma_wait3A_318] : memref<512x128xf32, #tpu.memory_space<vmem>> -> memref<128x128xf32, #tpu.memory_space<vmem>>
    %dma_wait3A_320 = arith.constant 256 : i32
    %dma_wait3A_321 = tpu.memref_slice %arg4[%add3A_122, %dma_wait3A_320] : memref<16384x512xf32, #tpu.memory_space<hbm>> -> memref<128x128xf32, #tpu.memory_space<hbm>>
    %dma_wait3A_322 = arith.constant 256 : i32
    %dma_wait3A_323 = tpu.memref_slice %arg4[%add3A_122, %dma_wait3A_322] : memref<16384x512xf32, #tpu.memory_space<hbm>> -> memref<128x128xf32, #tpu.memory_space<hbm>>
    %dma_wait3A_324 = arith.constant 128 : i32
    %dma_wait3A_325 = arith.constant 0 : i32
    %dma_wait3A_326 = tpu.memref_slice %arg6[%dma_wait3A_324, %dma_wait3A_325] : memref<512x128xf32, #tpu.memory_space<vmem>> -> memref<128x128xf32, #tpu.memory_space<vmem>>
    tpu.wait_dma2 semaphore(%arg8 : memref<!tpu.dma_semaphore, #tpu.memory_space<semaphore_mem>>) src(%dma_wait3A_326 : memref<128x128xf32, #tpu.memory_space<vmem>>) dst(%dma_wait3A_323 : memref<128x128xf32, #tpu.memory_space<hbm>>)
    %dma_wait3A_327 = arith.constant 128 : i32
    %dma_wait3A_328 = arith.constant 0 : i32
    %dma_wait3A_329 = tpu.memref_slice %arg6[%dma_wait3A_327, %dma_wait3A_328] : memref<512x128xf32, #tpu.memory_space<vmem>> -> memref<128x128xf32, #tpu.memory_space<vmem>>
    %dma_wait3A_330 = arith.constant 384 : i32
    %dma_wait3A_331 = tpu.memref_slice %arg4[%add3A_134, %dma_wait3A_330] : memref<16384x512xf32, #tpu.memory_space<hbm>> -> memref<128x128xf32, #tpu.memory_space<hbm>>
    %dma_wait3A_332 = arith.constant 384 : i32
    %dma_wait3A_333 = tpu.memref_slice %arg4[%add3A_134, %dma_wait3A_332] : memref<16384x512xf32, #tpu.memory_space<hbm>> -> memref<128x128xf32, #tpu.memory_space<hbm>>
    %dma_wait3A_334 = arith.constant 128 : i32
    %dma_wait3A_335 = arith.constant 0 : i32
    %dma_wait3A_336 = tpu.memref_slice %arg6[%dma_wait3A_334, %dma_wait3A_335] : memref<512x128xf32, #tpu.memory_space<vmem>> -> memref<128x128xf32, #tpu.memory_space<vmem>>
    tpu.wait_dma2 semaphore(%arg8 : memref<!tpu.dma_semaphore, #tpu.memory_space<semaphore_mem>>) src(%dma_wait3A_336 : memref<128x128xf32, #tpu.memory_space<vmem>>) dst(%dma_wait3A_333 : memref<128x128xf32, #tpu.memory_space<hbm>>)
    %dma_wait3A_337 = arith.constant 256 : i32
    %dma_wait3A_338 = arith.constant 0 : i32
    %dma_wait3A_339 = tpu.memref_slice %arg6[%dma_wait3A_337, %dma_wait3A_338] : memref<512x128xf32, #tpu.memory_space<vmem>> -> memref<128x128xf32, #tpu.memory_space<vmem>>
    %dma_wait3A_340 = arith.constant 0 : i32
    %dma_wait3A_341 = tpu.memref_slice %arg4[%add3A_154, %dma_wait3A_340] : memref<16384x512xf32, #tpu.memory_space<hbm>> -> memref<128x128xf32, #tpu.memory_space<hbm>>
    %dma_wait3A_342 = arith.constant 0 : i32
    %dma_wait3A_343 = tpu.memref_slice %arg4[%add3A_154, %dma_wait3A_342] : memref<16384x512xf32, #tpu.memory_space<hbm>> -> memref<128x128xf32, #tpu.memory_space<hbm>>
    %dma_wait3A_344 = arith.constant 256 : i32
    %dma_wait3A_345 = arith.constant 0 : i32
    %dma_wait3A_346 = tpu.memref_slice %arg6[%dma_wait3A_344, %dma_wait3A_345] : memref<512x128xf32, #tpu.memory_space<vmem>> -> memref<128x128xf32, #tpu.memory_space<vmem>>
    tpu.wait_dma2 semaphore(%arg8 : memref<!tpu.dma_semaphore, #tpu.memory_space<semaphore_mem>>) src(%dma_wait3A_346 : memref<128x128xf32, #tpu.memory_space<vmem>>) dst(%dma_wait3A_343 : memref<128x128xf32, #tpu.memory_space<hbm>>)
    %dma_wait3A_347 = arith.constant 256 : i32
    %dma_wait3A_348 = arith.constant 0 : i32
    %dma_wait3A_349 = tpu.memref_slice %arg6[%dma_wait3A_347, %dma_wait3A_348] : memref<512x128xf32, #tpu.memory_space<vmem>> -> memref<128x128xf32, #tpu.memory_space<vmem>>
    %dma_wait3A_350 = arith.constant 128 : i32
    %dma_wait3A_351 = tpu.memref_slice %arg4[%add3A_166, %dma_wait3A_350] : memref<16384x512xf32, #tpu.memory_space<hbm>> -> memref<128x128xf32, #tpu.memory_space<hbm>>
    %dma_wait3A_352 = arith.constant 128 : i32
    %dma_wait3A_353 = tpu.memref_slice %arg4[%add3A_166, %dma_wait3A_352] : memref<16384x512xf32, #tpu.memory_space<hbm>> -> memref<128x128xf32, #tpu.memory_space<hbm>>
    %dma_wait3A_354 = arith.constant 256 : i32
    %dma_wait3A_355 = arith.constant 0 : i32
    %dma_wait3A_356 = tpu.memref_slice %arg6[%dma_wait3A_354, %dma_wait3A_355] : memref<512x128xf32, #tpu.memory_space<vmem>> -> memref<128x128xf32, #tpu.memory_space<vmem>>
    tpu.wait_dma2 semaphore(%arg8 : memref<!tpu.dma_semaphore, #tpu.memory_space<semaphore_mem>>) src(%dma_wait3A_356 : memref<128x128xf32, #tpu.memory_space<vmem>>) dst(%dma_wait3A_353 : memref<128x128xf32, #tpu.memory_space<hbm>>)
    %dma_wait3A_357 = arith.constant 256 : i32
    %dma_wait3A_358 = arith.constant 0 : i32
    %dma_wait3A_359 = tpu.memref_slice %arg6[%dma_wait3A_357, %dma_wait3A_358] : memref<512x128xf32, #tpu.memory_space<vmem>> -> memref<128x128xf32, #tpu.memory_space<vmem>>
    %dma_wait3A_360 = arith.constant 256 : i32
    %dma_wait3A_361 = tpu.memref_slice %arg4[%add3A_178, %dma_wait3A_360] : memref<16384x512xf32, #tpu.memory_space<hbm>> -> memref<128x128xf32, #tpu.memory_space<hbm>>
    %dma_wait3A_362 = arith.constant 256 : i32
    %dma_wait3A_363 = tpu.memref_slice %arg4[%add3A_178, %dma_wait3A_362] : memref<16384x512xf32, #tpu.memory_space<hbm>> -> memref<128x128xf32, #tpu.memory_space<hbm>>
    %dma_wait3A_364 = arith.constant 256 : i32
    %dma_wait3A_365 = arith.constant 0 : i32
    %dma_wait3A_366 = tpu.memref_slice %arg6[%dma_wait3A_364, %dma_wait3A_365] : memref<512x128xf32, #tpu.memory_space<vmem>> -> memref<128x128xf32, #tpu.memory_space<vmem>>
    tpu.wait_dma2 semaphore(%arg8 : memref<!tpu.dma_semaphore, #tpu.memory_space<semaphore_mem>>) src(%dma_wait3A_366 : memref<128x128xf32, #tpu.memory_space<vmem>>) dst(%dma_wait3A_363 : memref<128x128xf32, #tpu.memory_space<hbm>>)
    %dma_wait3A_367 = arith.constant 256 : i32
    %dma_wait3A_368 = arith.constant 0 : i32
    %dma_wait3A_369 = tpu.memref_slice %arg6[%dma_wait3A_367, %dma_wait3A_368] : memref<512x128xf32, #tpu.memory_space<vmem>> -> memref<128x128xf32, #tpu.memory_space<vmem>>
    %dma_wait3A_370 = arith.constant 384 : i32
    %dma_wait3A_371 = tpu.memref_slice %arg4[%add3A_190, %dma_wait3A_370] : memref<16384x512xf32, #tpu.memory_space<hbm>> -> memref<128x128xf32, #tpu.memory_space<hbm>>
    %dma_wait3A_372 = arith.constant 384 : i32
    %dma_wait3A_373 = tpu.memref_slice %arg4[%add3A_190, %dma_wait3A_372] : memref<16384x512xf32, #tpu.memory_space<hbm>> -> memref<128x128xf32, #tpu.memory_space<hbm>>
    %dma_wait3A_374 = arith.constant 256 : i32
    %dma_wait3A_375 = arith.constant 0 : i32
    %dma_wait3A_376 = tpu.memref_slice %arg6[%dma_wait3A_374, %dma_wait3A_375] : memref<512x128xf32, #tpu.memory_space<vmem>> -> memref<128x128xf32, #tpu.memory_space<vmem>>
    tpu.wait_dma2 semaphore(%arg8 : memref<!tpu.dma_semaphore, #tpu.memory_space<semaphore_mem>>) src(%dma_wait3A_376 : memref<128x128xf32, #tpu.memory_space<vmem>>) dst(%dma_wait3A_373 : memref<128x128xf32, #tpu.memory_space<hbm>>)
    %dma_wait3A_377 = arith.constant 384 : i32
    %dma_wait3A_378 = arith.constant 0 : i32
    %dma_wait3A_379 = tpu.memref_slice %arg6[%dma_wait3A_377, %dma_wait3A_378] : memref<512x128xf32, #tpu.memory_space<vmem>> -> memref<128x128xf32, #tpu.memory_space<vmem>>
    %dma_wait3A_380 = arith.constant 0 : i32
    %dma_wait3A_381 = tpu.memref_slice %arg4[%add3A_210, %dma_wait3A_380] : memref<16384x512xf32, #tpu.memory_space<hbm>> -> memref<128x128xf32, #tpu.memory_space<hbm>>
    %dma_wait3A_382 = arith.constant 0 : i32
    %dma_wait3A_383 = tpu.memref_slice %arg4[%add3A_210, %dma_wait3A_382] : memref<16384x512xf32, #tpu.memory_space<hbm>> -> memref<128x128xf32, #tpu.memory_space<hbm>>
    %dma_wait3A_384 = arith.constant 384 : i32
    %dma_wait3A_385 = arith.constant 0 : i32
    %dma_wait3A_386 = tpu.memref_slice %arg6[%dma_wait3A_384, %dma_wait3A_385] : memref<512x128xf32, #tpu.memory_space<vmem>> -> memref<128x128xf32, #tpu.memory_space<vmem>>
    tpu.wait_dma2 semaphore(%arg8 : memref<!tpu.dma_semaphore, #tpu.memory_space<semaphore_mem>>) src(%dma_wait3A_386 : memref<128x128xf32, #tpu.memory_space<vmem>>) dst(%dma_wait3A_383 : memref<128x128xf32, #tpu.memory_space<hbm>>)
    %dma_wait3A_387 = arith.constant 384 : i32
    %dma_wait3A_388 = arith.constant 0 : i32
    %dma_wait3A_389 = tpu.memref_slice %arg6[%dma_wait3A_387, %dma_wait3A_388] : memref<512x128xf32, #tpu.memory_space<vmem>> -> memref<128x128xf32, #tpu.memory_space<vmem>>
    %dma_wait3A_390 = arith.constant 128 : i32
    %dma_wait3A_391 = tpu.memref_slice %arg4[%add3A_222, %dma_wait3A_390] : memref<16384x512xf32, #tpu.memory_space<hbm>> -> memref<128x128xf32, #tpu.memory_space<hbm>>
    %dma_wait3A_392 = arith.constant 128 : i32
    %dma_wait3A_393 = tpu.memref_slice %arg4[%add3A_222, %dma_wait3A_392] : memref<16384x512xf32, #tpu.memory_space<hbm>> -> memref<128x128xf32, #tpu.memory_space<hbm>>
    %dma_wait3A_394 = arith.constant 384 : i32
    %dma_wait3A_395 = arith.constant 0 : i32
    %dma_wait3A_396 = tpu.memref_slice %arg6[%dma_wait3A_394, %dma_wait3A_395] : memref<512x128xf32, #tpu.memory_space<vmem>> -> memref<128x128xf32, #tpu.memory_space<vmem>>
    tpu.wait_dma2 semaphore(%arg8 : memref<!tpu.dma_semaphore, #tpu.memory_space<semaphore_mem>>) src(%dma_wait3A_396 : memref<128x128xf32, #tpu.memory_space<vmem>>) dst(%dma_wait3A_393 : memref<128x128xf32, #tpu.memory_space<hbm>>)
    %dma_wait3A_397 = arith.constant 384 : i32
    %dma_wait3A_398 = arith.constant 0 : i32
    %dma_wait3A_399 = tpu.memref_slice %arg6[%dma_wait3A_397, %dma_wait3A_398] : memref<512x128xf32, #tpu.memory_space<vmem>> -> memref<128x128xf32, #tpu.memory_space<vmem>>
    %dma_wait3A_400 = arith.constant 256 : i32
    %dma_wait3A_401 = tpu.memref_slice %arg4[%add3A_234, %dma_wait3A_400] : memref<16384x512xf32, #tpu.memory_space<hbm>> -> memref<128x128xf32, #tpu.memory_space<hbm>>
    %dma_wait3A_402 = arith.constant 256 : i32
    %dma_wait3A_403 = tpu.memref_slice %arg4[%add3A_234, %dma_wait3A_402] : memref<16384x512xf32, #tpu.memory_space<hbm>> -> memref<128x128xf32, #tpu.memory_space<hbm>>
    %dma_wait3A_404 = arith.constant 384 : i32
    %dma_wait3A_405 = arith.constant 0 : i32
    %dma_wait3A_406 = tpu.memref_slice %arg6[%dma_wait3A_404, %dma_wait3A_405] : memref<512x128xf32, #tpu.memory_space<vmem>> -> memref<128x128xf32, #tpu.memory_space<vmem>>
    tpu.wait_dma2 semaphore(%arg8 : memref<!tpu.dma_semaphore, #tpu.memory_space<semaphore_mem>>) src(%dma_wait3A_406 : memref<128x128xf32, #tpu.memory_space<vmem>>) dst(%dma_wait3A_403 : memref<128x128xf32, #tpu.memory_space<hbm>>)
    %dma_wait3A_407 = arith.constant 384 : i32
    %dma_wait3A_408 = arith.constant 0 : i32
    %dma_wait3A_409 = tpu.memref_slice %arg6[%dma_wait3A_407, %dma_wait3A_408] : memref<512x128xf32, #tpu.memory_space<vmem>> -> memref<128x128xf32, #tpu.memory_space<vmem>>
    %dma_wait3A_410 = arith.constant 384 : i32
    %dma_wait3A_411 = tpu.memref_slice %arg4[%add3A_246, %dma_wait3A_410] : memref<16384x512xf32, #tpu.memory_space<hbm>> -> memref<128x128xf32, #tpu.memory_space<hbm>>
    %dma_wait3A_412 = arith.constant 384 : i32
    %dma_wait3A_413 = tpu.memref_slice %arg4[%add3A_246, %dma_wait3A_412] : memref<16384x512xf32, #tpu.memory_space<hbm>> -> memref<128x128xf32, #tpu.memory_space<hbm>>
    %dma_wait3A_414 = arith.constant 384 : i32
    %dma_wait3A_415 = arith.constant 0 : i32
    %dma_wait3A_416 = tpu.memref_slice %arg6[%dma_wait3A_414, %dma_wait3A_415] : memref<512x128xf32, #tpu.memory_space<vmem>> -> memref<128x128xf32, #tpu.memory_space<vmem>>
    tpu.wait_dma2 semaphore(%arg8 : memref<!tpu.dma_semaphore, #tpu.memory_space<semaphore_mem>>) src(%dma_wait3A_416 : memref<128x128xf32, #tpu.memory_space<vmem>>) dst(%dma_wait3A_413 : memref<128x128xf32, #tpu.memory_space<hbm>>)
    return
  }
}

</mosaic_0001>

<sc_bundles>
// kernel: kernel.3.cloned.1.call-start
scs
__scs_entry_jumppad:
0x0: {  	(pc) =	sbr.rel $0x88, $3  }
0x1: {  	(tag) =	ssettag $0x0;
	lr =	simm.s32 $0x1  }
0x2: {  	[smem:$0x3F9F] =	sst lr;
	_ =	strace $0xD0000000  }
0x3: {  	_ = 	snop  }
0x4: {  	_ = 	snop  }
0x5: {  	_ = 	snop  }
0x6: {  	_ = 	snop  }
0x7: {  	_ = 	snop  }
__scs_overlays_trampoline_lowered:
0x8: {  	[smem:$0x3FAE] =	sst s0  }
0x9: {  	[smem:$0x3FAF] =	sst s1  }
0xa: {  	[smem:$0x3FB0] =	sst s2  }
0xb: {  	[smem:$0x3FB1] =	sst s3  }
0xc: {  	[smem:$0x3FB2] =	sst s4  }
0xd: {  	[smem:$0x3FB3] =	sst s5  }
0xe: {  	[smem:$0x3FB4] =	sst s6  }
0xf: {  	[smem:$0x3FB5] =	sst s7  }
0x10: {  	[smem:$0x3FB6] =	sst s8  }
0x11: {  	[smem:$0x3FB7] =	sst s9;
	s0 =	simm.s32 @!p0 $0x0  }
0x12: {  	s1 =	sld [smem:$0x3F9D];
	s0 =	simm.s32 @p0 $0x1  }
0x13: {  	[smem:$0x3FB8] =	sst s0;
	s0 =	simm.s32 @!p1 $0x0  }
0x14: {  	s2 =	sld [smem:$0x3F9C];
	s0 =	simm.s32 @p1 $0x1  }
0x15: {  	[smem:$0x3FB9] =	sst s0;
	s0 =	simm.s32 @!p2 $0x0  }
0x16: {  	s3 =	sld [smem:$0x3FDB];
	s0 =	simm.s32 @p2 $0x1  }
0x17: {  	s4 =	simm.s32 $0x1BF5;
	[smem:$0x3FBB] =	sst s0  }
0x18: {  	s0 =	sld [smem:$0x3F9E];
	_ =	swait.ge [sflag:s4], $0x0  }
0x19: {  	s7 =	sld [smem:$0x3F9F]  }
0x1a: {  	s8 =	sadd.s32 $0xFFFFE003, lr  }
0x1b: {  	s9 =	sadd.s32 $0xFFFFFEF7, lr;
	s5 =	simm.s32 $0xFFFFFFFF;
	p2 =	slt.u32 s8, $0xFFFFF086  }
0x1c: {  	p1 =	slt.u32 s9, $0xF7A;
	s5 =	simm.s32 @!p2 $0x0  }
0x1d: {  	s5 =	simm.s32 @p1 $0x1;
	p0 =	seq.s32 s7, s2  }
0x1e: {  	s7 =	smul.u32 @!p0 $0xF7A, s2;
	p2 =	seq.s32 @!p0 s5, $0x0  }
0x1f: {  	s9 =	smul.u32 $0xF7A, s1;
	s8 =	simm.s32 @!p0 $0x1BF5;
	p2 =	por !p2, p0  }
0x20: {  	[sflag:s8] =	ssyncset.s32 @!p0 $0xFFFFF086;
	s6 =	sadd.s32 @!p0 s3, s7;
	s7 =	simm.s32 @!p0 $0x108  }
0x21: {  	s3 =	sadd.s32 s3, s9;
	s6 =	sadd.s32 @!p0 $0x88, s6;
	s7 =	simm.s32 @p2 $0x1082  }
0x22: {  	[simem:s7], [sflag:s8] =	dma.local @!p0 [hbm:s6], $0xF7A  }
0x23: {  	s9 =	sor.u32 $0xD0000000, s2;
	s6 =	simm.s32 $0x108;
	_ =	swait.ge @!p0 [sflag:s8], $0x0  }
0x24: {  	s3 =	sadd.s32 $0x88, s3;
	s6 =	simm.s32 @!p1 $0x1082;
	[sflag:s4] =	ssyncset.s32 $0xFFFFF086  }
0x25: {  	[simem:s6], [sflag:s4] =	dma.local [hbm:s3], $0xF7A  }
0x26: {  	[smem:$0x3F9F] =	sst s1;
	(tag) =	ssettag s2;
	_ =	strace s9  }
0x27: {  	s1 =	sld [smem:$0x3FAF]  }
0x28: {  	s2 =	sld [smem:$0x3FB0]  }
0x29: {  	s4 =	sld [smem:$0x3FB2]  }
0x2a: {  	p0 =	seq.s32 s5, $0x0;
	s5 =	sld [smem:$0x3FB3]  }
0x2b: {  	s6 =	sld [smem:$0x3FB4]  }
0x2c: {  	s7 =	sld [smem:$0x3FB5]  }
0x2d: {  	s3 =	simm.s32 $0x108;
	s8 =	sld [smem:$0x3FB6]  }
0x2e: {  	s3 =	simm.s32 @!p0 $0x1082;
	s9 =	sld [smem:$0x3FB7]  }
0x2f: {  	lr =	sadd.s32 s0, s3;
	s0 =	sld [smem:$0x3FAE]  }
0x30: {  	s3 =	sld [smem:$0x3FB1]  }
0x31: {  	[smem:$0x3FBA] =	sst s10  }
0x32: {  	s10 =	sld [smem:$0x3FB8];
	_ =	sdelay $0x3  }
0x33: {  	p0 =	seq.s32 s10, $0x1;
	s10 =	sld [smem:$0x3FBA];
	_ =	sdelay $0x3  }
0x34: {  	[smem:$0x3FBA] =	sst s10  }
0x35: {  	s10 =	sld [smem:$0x3FB9];
	_ =	sdelay $0x3  }
0x36: {  	p1 =	seq.s32 s10, $0x1;
	s10 =	sld [smem:$0x3FBA];
	_ =	sdelay $0x3  }
0x37: {  	[smem:$0x3FBA] =	sst s10  }
0x38: {  	s10 =	sld [smem:$0x3FBB]  }
0x39: {  	_ = 	snop;
	(pc) =	sbr.ind lr, $3  }
0x3a: {  	_ = 	snop  }
0x3b: {  	_ = 	snop  }
0x3c: {  	p2 =	seq.s32 s10, $0x1;
	s10 =	sld [smem:$0x3FBA]  }
0x3d: {  	_ =	shalt  }
0x3e: {  	_ =	shalt  }
0x3f: {  	_ =	shalt  }
0x40: {  	_ =	shalt  }
0x41: {  	_ =	shalt  }
0x42: {  	_ =	shalt  }
0x43: {  	_ =	shalt  }
0x44: {  	_ =	shalt  }
0x45: {  	_ =	shalt  }
0x46: {  	_ =	shalt  }
0x47: {  	_ =	shalt  }
0x48: {  	_ =	shalt  }
0x49: {  	_ =	shalt  }
0x4a: {  	_ =	shalt  }
0x4b: {  	_ =	shalt  }
0x4c: {  	_ =	shalt  }
0x4d: {  	_ =	shalt  }
0x4e: {  	_ =	shalt  }
0x4f: {  	_ =	shalt  }
0x50: {  	_ =	shalt  }
0x51: {  	_ =	shalt  }
0x52: {  	_ =	shalt  }
0x53: {  	_ =	shalt  }
0x54: {  	_ =	shalt  }
0x55: {  	_ =	shalt  }
0x56: {  	_ =	shalt  }
0x57: {  	_ =	shalt  }
0x58: {  	_ =	shalt  }
0x59: {  	_ =	shalt  }
0x5a: {  	_ =	shalt  }
0x5b: {  	_ =	shalt  }
0x5c: {  	_ =	shalt  }
0x5d: {  	_ =	shalt  }
0x5e: {  	_ =	shalt  }
0x5f: {  	_ =	shalt  }
0x60: {  	_ =	shalt  }
0x61: {  	_ =	shalt  }
0x62: {  	_ =	shalt  }
0x63: {  	_ =	shalt  }
0x64: {  	_ =	shalt  }
0x65: {  	_ =	shalt  }
0x66: {  	_ =	shalt  }
0x67: {  	_ =	shalt  }
0x68: {  	_ =	shalt  }
0x69: {  	_ =	shalt  }
0x6a: {  	_ =	shalt  }
0x6b: {  	_ =	shalt  }
0x6c: {  	_ =	shalt  }
0x6d: {  	_ =	shalt  }
0x6e: {  	_ =	shalt  }
0x6f: {  	_ =	shalt  }
0x70: {  	_ =	shalt  }
0x71: {  	_ =	shalt  }
0x72: {  	_ =	shalt  }
0x73: {  	_ =	shalt  }
0x74: {  	_ =	shalt  }
0x75: {  	_ =	shalt  }
0x76: {  	_ =	shalt  }
0x77: {  	_ =	shalt  }
0x78: {  	_ =	shalt  }
0x79: {  	_ =	shalt  }
0x7a: {  	_ =	shalt  }
0x7b: {  	_ =	shalt  }
0x7c: {  	_ =	shalt  }
0x7d: {  	_ =	shalt  }
0x7e: {  	_ =	shalt  }
0x7f: {  	_ =	shalt  }
0x80: {  	_ =	shalt  }
0x81: {  	_ =	shalt  }
0x82: {  	_ =	shalt  }
0x83: {  	_ =	shalt  }
0x84: {  	_ =	shalt  }
0x85: {  	_ =	shalt  }
0x86: {  	_ =	shalt  }
0x87: {  	_ =	shalt  }
.Lfunc_end0:
.L_simem_size_0:
called_computation_lowered:
.L_overlay_start_0:
0x88: {  	s2 =	sld [smem:$0x3FD9]  }
0x89: {  	s3 =	sld [smem:$0x3FFE];
	_ =	sdelay $0x1  }
0x8a: {  	s1 =	srdreg.scid  }
0x8b: {  	s0 =	sand.u32 $0x1, s1  }
0x8c: {  	s17 =	sshll.u32 s0, $0xA;
	s2 =	sadd.s32 s3, s2  }
0x8d: {  	s2 =	sadd.s32 s2, s17  }
0x8e: {  	[smem:$0x3FC6] =	sst s2  }
0x8f: {  	_ = 	snop  }
0x90: {  	s2 =	sld [smem:$0x3FD0];
	(tm) =	ssettm $0x1  }
0x91: {  	s18 =	sld [smem:$0x3FFB];
	_ =	sdelay $0x3  }
0x92: {  	_ =	strace s18  }
0x93: {  	s3 =	sld [smem:$0x3FFC];
	_ =	sdelay $0x3  }
0x94: {  	_ =	strace s3  }
0x95: {  	s3 =	sld [smem:$0x3FFD];
	_ =	sdelay $0x3  }
0x96: {  	_ =	strace s3  }
0x97: {  	_ =	strace $0x8FFFFFFF  }
0x98: {  	s19 =	sld [smem:$0x3FDB];
	_ =	sdelay $0x1  }
0x99: {  	s4 =	simm.s32 $_scs_section_size  }
0x9a: {  	s5 =	simm.s32 $_size__tile_overlayer_lowered;
	s6 =	simm.s32 $_tile_overlayer_lowered  }
0x9b: {  	s22 =	simm.s32 $0x1BFF;
	s21 =	sshll.u32 s6, $0x1;
	s3 =	sadd.s32 s4, s19  }
0x9c: {  	s7 =	simm.s32 $0x0;
	s20 =	sshll.u32 s5, $0x1;
	s5 =	sadd.s32 s21, s3  }
0x9d: {  	[timem:s7], [sflag:s22] =	dma.local [hbm:s5], s20  }
0x9e: {  	_ =	swait.ge [sflag:s22], s20  }
0x9f: {  	s4 =	ssub.s32 $0x0, s20;
	[sflag:s22] =	ssyncset.done $0x0  }
0xa0: {  	[sflag:s22] =	ssyncadd.s32 s4;
	_ =	sdelay $0x1  }
0xa1: {  	s23 =	simm.s32 $0x1B8B  }
0xa2: {  	_ =	swait.ge [sflag:s23], $0x1  }
0xa3: {  	[sflag:s23] =	ssyncset.done $0x0  }
0xa4: {  	s25 =	simm.s32 $0x1B8E;
	s24 =	sld [smem:$0x3FFE];
	[sflag:s23] =	ssyncadd.s32 $0xFFFFFFFF  }
0xa5: {  	s26 =	simm.s32 $execute0_lowered;
	[smem:$0x3FD2] =	sst s25  }
0xa6: {  	s5 =	sshll.u32 s26, $0x1;
	_ =	strace $0x80000046;
	[dreg:$0x1] =	wrdreg $0xFFFFFFFF  }
0xa7: {  	s28 =	simm.s32 $_size_execute0_lowered;
	s3 =	sadd.s32 s3, s5;
	[dreg:$0x0] =	wrdreg $0x0  }
0xa8: {  	s5 =	sshll.u32 s28, $0x1;
	[dreg:$0x2] =	wrdreg s3  }
0xa9: {  	[dreg:$0x3] =	wrdreg s5  }
0xaa: {  	[dreg:$0x4] =	wrdreg $0xC0  }
0xab: {  	_ =	task [dreg:s7], $0x5FFFF  }
0xac: {  	[dreg:$0x1] =	wrdreg $0xFFFFFFFF  }
0xad: {  	[dreg:$0x0] =	wrdreg $0x60  }
0xae: {  	[dreg:$0x2] =	wrdreg s24  }
0xaf: {  	[dreg:$0x3] =	wrdreg s2  }
0xb0: {  	[dreg:$0x4] =	wrdreg $0x9  }
0xb1: {  	_ =	task.clear_ibuf [dreg:s7], $0x5FFFF;
	_ =	strace $0x90000046  }
0xb2: {  	s29 =	simm.s32 $0x9;
	_ =	strace $0x80000048  }
0xb3: {  	_ =	swait.ge [sflag:s29], $0x1  }
0xb4: {  	[sflag:s29] =	ssyncadd.s32 $0xFFFFFFFF  }
0xb5: {  	_ =	strace $0x90000048  }
0xb6: {  	_ =	sfence  }
0xb7: {  	s30 =	sld [smem:$0x0];
	_ =	sdelay $0x2  }
0xb8: {  	s31 =	sshll.u32 s1, $0xD;
	s1 =	sshrl.u32 s1, $0x2  }
0xb9: {  	s3 =	sand.u32 $0x4000, s31;
	s1 =	sadd.s32 s1, s30  }
0xba: {  	s0 =	sor.u32 s3, s0;
	s1 =	sshll.u32 s1, $0x11  }
0xbb: {  	s0 =	sor.u32 s1, s0  }
0xbc: {  	s0 =	sadd.s32 $0x8F2B, s0  }
0xbd: {  	[sflag:s0] =	ssyncadd.remote.s32 $0x1  }
0xbe: {  	_ =	sfence.sel $0xFFFF  }
0xbf: {  	[dreg:$0x0] =	wrdreg $0xFFFFFFFF;
	(pc) =	sbr.abs _section_cstart, $3  }
0xc0: {  	[dreg:$0x1] =	wrdreg $0xFFFFFFFF  }
0xc1: {  	_ =	task.clear_ibuf [dreg:s7], $0x2FFFF;
	_ =	strace $0x9FFFFFFF  }
0xc2: {  	(tm) =	ssettm $0x7FFFFFFF  }
0xc3: {  	_ =	shalt  }
tec
execute0_lowered:
.L_overlay_start_1:
0x0: {  	(tag) =	ssettag $0x1  }
0x1: {  	s0 =	rddreg [dreg:$0x0]  }
0x2: {  	s1 =	rddreg [dreg:$0x1]  }
0x3: {  	s2 =	srdreg.scid;
	s3 =	stileid.u32  }
0x4: {  	s7 =	simm.s32 $0x0;
	s29 =	simm.s32 $0x3;
	s28 =	simm.s32 $0x80  }
0x5: {  	s30 =	simm.s32 $0x100;
	s21 =	simm.s32 $0x8200;
	p0 =	por $0x0, $0x0  }
0x6: {  	s31 =	simm.s32 $0x180;
	s20 =	simm.s32 $0xC200;
	s22 =	simm.s32 $0x400  }
0x7: {  	s23 =	simm.s32 $0x1000;
	s2 =	sand.u32 $0x1, s2;
	s3 =	sshll.u32 s3, $0xA  }
0x8: {  	[smem:$0x7FF] =	sst s7;
	s13 =	sadd.s32 $0xC00, s0;
	s4 =	sshll.u32 s2, $0x9  }
0x9: {  	_ =	strace $0x80000047;
	s2 =	ssub.s32 $0x2, s2;
	s3 =	sor.u32 s4, s3  }
0xa: {  	s26 =	sshrl.u32 s2, $0x1;
	s4 =	sshrl.u32 s3, $0x3;
	s24 =	sshll.u32 s3, $0x6  }
0xb: {  	s4 =	sadd.s32 s4, s0;
	s12 =	sadd.s32 s1, s24;
	s0 =	ssub.s32 s2, s26  }
0xc: {  	s26 =	simm.s32 $0x200;
	s24 =	simm.s32 $0x1;
	s2 =	simm.s32 $0x2  }
0xd: {  	s25 =	sadd.s32 $0x400, s4;
	s1 =	sadd.s32 $0x80, s12;
	s18 =	sadd.s32 $0x100, s12  }
0xe: {  	s19 =	sadd.s32 $0x180, s12;
	s14 =	sadd.s32 $0x2000, s12;
	s0 =	smax.u32 s0, $0x1  }
0xf: {  	s15 =	sadd.s32 $0x2080, s12;
	s16 =	sadd.s32 $0x2100, s12;
	p1 =	sne.s32 s0, $0x1  }
.Ltmp0:
0x10: {  	s17 =	sadd.s32 $0x2180, s12;
	s8 =	sadd.s32 $0x4000, s12;
	(pc) =	sbr.rel @!p1 .LBB2_3-.Ltmp0, $4  }
0x11: {  	s9 =	sadd.s32 $0x4080, s12;
	s10 =	sadd.s32 $0x4100, s12;
	s11 =	sadd.s32 $0x4180, s12  }
0x12: {  	s3 =	sadd.s32 $0x6000, s12;
	s4 =	sadd.s32 $0x6080, s12;
	[dreg:$0x3] =	wrdreg s25  }
0x13: {  	s5 =	sadd.s32 $0x6100, s12;
	s6 =	sadd.s32 $0x6180, s12;
	[dreg:$0x4] =	wrdreg s1  }
0x14: {  	s25 =	simm.s32 $0x4200;
	s0 =	sadd.s32 $0xFFFFFFFF, s0;
	s1 =	rddreg [dreg:$0x3]  }
0x15: {  	[tilespmem:s7], [sflag:$0x3] =	stream.linear.gather [hbm4b:s1+s7], $0x200, $0x38;
	[tilespmem:$0x10200] =	vst v63  }
0x16: {  	_ =	swait.ge [sflag:s29], $0x200  }
0x17: {  	[sflag:s29] =	ssyncset.done $0x0  }
0x18: {  	[sflag:s29] =	ssyncadd.s32 $0xFFFFFE00  }
0x19: {  	[tilespmem:s26], [sflag:$0x1] =	stream.indirect.gather [hbm4b:s13+s28], $0x80, s7, s28, $0xb8;
	[tilespmem:$0x10200] =	vst v63  }
0x1a: {  	_ = 	snop  }
0x1b: {  	[tilespmem:s25], [sflag:$0x1] =	stream.indirect.gather [hbm4b:s13+s28], $0x80, s28, s28, $0xb8;
	[tilespmem:$0x10200] =	vst v63  }
0x1c: {  	_ = 	snop  }
0x1d: {  	[tilespmem:s21], [sflag:$0x1] =	stream.indirect.gather [hbm4b:s13+s28], $0x80, s30, s28, $0xb8;
	[tilespmem:$0x10200] =	vst v63  }
0x1e: {  	_ = 	snop  }
0x1f: {  	[tilespmem:s20], [sflag:$0x1] =	stream.indirect.gather [hbm4b:s13+s28], $0x80, s31, s28, $0xb8;
	[tilespmem:$0x10200] =	vst v63  }
0x20: {  	_ =	swait.ge [sflag:s24], $0x4000  }
0x21: {  	[sflag:s24] =	ssyncset.done $0x0  }
0x22: {  	[sflag:s24] =	ssyncadd.s32 $0xFFFFC000  }
0x23: {  	[hbm4b:s12+s22] =	stream.strided.scatter [tilespmem:s26], [sflag:$0x2], $0x4000, s23, s22, $0x38;
	[tilespmem:$0x10200] =	vst v63  }
0x24: {  	s1 =	rddreg [dreg:$0x4]  }
0x25: {  	[hbm4b:s1+s22] =	stream.strided.scatter [tilespmem:s26], [sflag:$0x2], $0x4000, s23, s22, $0x38;
	[tilespmem:$0x10200] =	vst v63  }
0x26: {  	_ = 	snop  }
0x27: {  	[hbm4b:s18+s22] =	stream.strided.scatter [tilespmem:s26], [sflag:$0x2], $0x4000, s23, s22, $0x38;
	[tilespmem:$0x10200] =	vst v63  }
0x28: {  	_ = 	snop  }
0x29: {  	[hbm4b:s19+s22] =	stream.strided.scatter [tilespmem:s26], [sflag:$0x2], $0x4000, s23, s22, $0x38;
	[tilespmem:$0x10200] =	vst v63  }
0x2a: {  	_ =	swait.ge [sflag:s24], $0x4000  }
0x2b: {  	[sflag:s24] =	ssyncset.done $0x0  }
0x2c: {  	[sflag:s24] =	ssyncadd.s32 $0xFFFFC000  }
0x2d: {  	[hbm4b:s14+s22] =	stream.strided.scatter [tilespmem:s25], [sflag:$0x2], $0x4000, s23, s22, $0x38;
	[tilespmem:$0x10200] =	vst v63  }
0x2e: {  	_ = 	snop  }
0x2f: {  	[hbm4b:s15+s22] =	stream.strided.scatter [tilespmem:s25], [sflag:$0x2], $0x4000, s23, s22, $0x38;
	[tilespmem:$0x10200] =	vst v63  }
0x30: {  	_ = 	snop  }
0x31: {  	[hbm4b:s16+s22] =	stream.strided.scatter [tilespmem:s25], [sflag:$0x2], $0x4000, s23, s22, $0x38;
	[tilespmem:$0x10200] =	vst v63  }
0x32: {  	_ = 	snop  }
0x33: {  	[hbm4b:s17+s22] =	stream.strided.scatter [tilespmem:s25], [sflag:$0x2], $0x4000, s23, s22, $0x38;
	[tilespmem:$0x10200] =	vst v63  }
0x34: {  	_ =	swait.ge [sflag:s24], $0x4000  }
0x35: {  	[sflag:s24] =	ssyncset.done $0x0  }
0x36: {  	[sflag:s24] =	ssyncadd.s32 $0xFFFFC000  }
0x37: {  	[hbm4b:s8+s22] =	stream.strided.scatter [tilespmem:s21], [sflag:$0x2], $0x4000, s23, s22, $0x38;
	[tilespmem:$0x10200] =	vst v63  }
0x38: {  	_ = 	snop  }
0x39: {  	[hbm4b:s9+s22] =	stream.strided.scatter [tilespmem:s21], [sflag:$0x2], $0x4000, s23, s22, $0x38;
	[tilespmem:$0x10200] =	vst v63  }
0x3a: {  	_ = 	snop  }
0x3b: {  	[hbm4b:s10+s22] =	stream.strided.scatter [tilespmem:s21], [sflag:$0x2], $0x4000, s23, s22, $0x38;
	[tilespmem:$0x10200] =	vst v63  }
0x3c: {  	_ = 	snop  }
0x3d: {  	[hbm4b:s11+s22] =	stream.strided.scatter [tilespmem:s21], [sflag:$0x2], $0x4000, s23, s22, $0x38;
	[tilespmem:$0x10200] =	vst v63  }
0x3e: {  	_ =	swait.ge [sflag:s24], $0x4000  }
0x3f: {  	[sflag:s24] =	ssyncset.done $0x0  }
0x40: {  	[sflag:s24] =	ssyncadd.s32 $0xFFFFC000  }
0x41: {  	[hbm4b:s3+s22] =	stream.strided.scatter [tilespmem:s20], [sflag:$0x2], $0x4000, s23, s22, $0x38;
	[tilespmem:$0x10200] =	vst v63  }
0x42: {  	_ = 	snop  }
0x43: {  	[hbm4b:s4+s22] =	stream.strided.scatter [tilespmem:s20], [sflag:$0x2], $0x4000, s23, s22, $0x38;
	[tilespmem:$0x10200] =	vst v63  }
0x44: {  	_ = 	snop  }
0x45: {  	[hbm4b:s5+s22] =	stream.strided.scatter [tilespmem:s20], [sflag:$0x2], $0x4000, s23, s22, $0x38;
	[tilespmem:$0x10200] =	vst v63  }
0x46: {  	_ = 	snop  }
0x47: {  	[hbm4b:s6+s22] =	stream.strided.scatter [tilespmem:s20], [sflag:$0x2], $0x4000, s23, s22, $0x38;
	[tilespmem:$0x10200] =	vst v63  }
0x48: {  	_ =	swait.ge [sflag:s2], $0x4000  }
0x49: {  	[sflag:s2] =	ssyncset.done $0x0  }
0x4a: {  	[sflag:s2] =	ssyncadd.s32 $0xFFFFC000  }
0x4b: {  	_ =	swait.ge [sflag:s2], $0x4000  }
0x4c: {  	[sflag:s2] =	ssyncset.done $0x0  }
0x4d: {  	[sflag:s2] =	ssyncadd.s32 $0xFFFFC000  }
0x4e: {  	_ =	swait.ge [sflag:s2], $0x4000  }
0x4f: {  	[sflag:s2] =	ssyncset.done $0x0  }
0x50: {  	[sflag:s2] =	ssyncadd.s32 $0xFFFFC000  }
0x51: {  	_ =	swait.ge [sflag:s2], $0x4000  }
0x52: {  	[sflag:s2] =	ssyncset.done $0x0  }
0x53: {  	[sflag:s2] =	ssyncadd.s32 $0xFFFFC000  }
0x54: {  	_ =	swait.ge [sflag:s2], $0x4000  }
0x55: {  	[sflag:s2] =	ssyncset.done $0x0  }
0x56: {  	[sflag:s2] =	ssyncadd.s32 $0xFFFFC000  }
0x57: {  	_ =	swait.ge [sflag:s2], $0x4000  }
0x58: {  	[sflag:s2] =	ssyncset.done $0x0  }
0x59: {  	[sflag:s2] =	ssyncadd.s32 $0xFFFFC000  }
0x5a: {  	_ =	swait.ge [sflag:s2], $0x4000  }
0x5b: {  	[sflag:s2] =	ssyncset.done $0x0  }
0x5c: {  	[sflag:s2] =	ssyncadd.s32 $0xFFFFC000  }
0x5d: {  	_ =	swait.ge [sflag:s2], $0x4000  }
0x5e: {  	[sflag:s2] =	ssyncset.done $0x0  }
0x5f: {  	[sflag:s2] =	ssyncadd.s32 $0xFFFFC000  }
0x60: {  	_ =	swait.ge [sflag:s2], $0x4000  }
0x61: {  	[sflag:s2] =	ssyncset.done $0x0  }
0x62: {  	[sflag:s2] =	ssyncadd.s32 $0xFFFFC000  }
0x63: {  	_ =	swait.ge [sflag:s2], $0x4000  }
0x64: {  	[sflag:s2] =	ssyncset.done $0x0  }
0x65: {  	[sflag:s2] =	ssyncadd.s32 $0xFFFFC000  }
0x66: {  	_ =	swait.ge [sflag:s2], $0x4000  }
0x67: {  	[sflag:s2] =	ssyncset.done $0x0  }
0x68: {  	[sflag:s2] =	ssyncadd.s32 $0xFFFFC000  }
0x69: {  	_ =	swait.ge [sflag:s2], $0x4000  }
0x6a: {  	[sflag:s2] =	ssyncset.done $0x0  }
0x6b: {  	[sflag:s2] =	ssyncadd.s32 $0xFFFFC000  }
0x6c: {  	_ =	swait.ge [sflag:s2], $0x4000  }
0x6d: {  	[sflag:s2] =	ssyncset.done $0x0  }
0x6e: {  	[sflag:s2] =	ssyncadd.s32 $0xFFFFC000  }
0x6f: {  	_ =	swait.ge [sflag:s2], $0x4000  }
0x70: {  	[sflag:s2] =	ssyncset.done $0x0  }
0x71: {  	p1 =	sne.s32 s0, $0x1;
	[sflag:s2] =	ssyncadd.s32 $0xFFFFC000  }
.Ltmp1:
0x72: {  	_ =	swait.ge [sflag:s2], $0x4000;
	(pc) =	sbr.rel @!p1 .LBB2_3-.Ltmp1, $4  }
0x73: {  	[sflag:s2] =	ssyncset.done $0x0  }
0x74: {  	[sflag:s2] =	ssyncadd.s32 $0xFFFFC000  }
0x75: {  	s0 =	sadd.s32 $0xFFFFFFFF, s0;
	_ =	swait.ge [sflag:s2], $0x4000  }
0x76: {  	p0 =	por $0x1, $0x1;
	s1 =	rddreg [dreg:$0x3];
	[sflag:s2] =	ssyncset.done $0x0  }
.LBB2_2:
0x77: {  	[sflag:s2] =	ssyncadd.s32 $0xFFFFC000  }
0x78: {  	[tilespmem:s7], [sflag:$0x3] =	stream.linear.gather [hbm4b:s1+s7], $0x200, $0x38;
	[tilespmem:$0x10200] =	vst v63  }
0x79: {  	_ =	swait.ge [sflag:s29], $0x200  }
0x7a: {  	[sflag:s29] =	ssyncset.done $0x0  }
0x7b: {  	[sflag:s29] =	ssyncadd.s32 $0xFFFFFE00  }
0x7c: {  	[tilespmem:s26], [sflag:$0x1] =	stream.indirect.gather [hbm4b:s13+s28], $0x80, s7, s28, $0xb8;
	[tilespmem:$0x10200] =	vst v63  }
0x7d: {  	_ = 	snop  }
0x7e: {  	[tilespmem:s25], [sflag:$0x1] =	stream.indirect.gather [hbm4b:s13+s28], $0x80, s28, s28, $0xb8;
	[tilespmem:$0x10200] =	vst v63  }
0x7f: {  	_ = 	snop  }
0x80: {  	[tilespmem:s21], [sflag:$0x1] =	stream.indirect.gather [hbm4b:s13+s28], $0x80, s30, s28, $0xb8;
	[tilespmem:$0x10200] =	vst v63  }
0x81: {  	_ = 	snop  }
0x82: {  	[tilespmem:s20], [sflag:$0x1] =	stream.indirect.gather [hbm4b:s13+s28], $0x80, s31, s28, $0xb8;
	[tilespmem:$0x10200] =	vst v63  }
0x83: {  	_ =	swait.ge [sflag:s24], $0x4000  }
0x84: {  	[sflag:s24] =	ssyncset.done $0x0  }
0x85: {  	[sflag:s24] =	ssyncadd.s32 $0xFFFFC000  }
0x86: {  	[hbm4b:s12+s22] =	stream.strided.scatter [tilespmem:s26], [sflag:$0x2], $0x4000, s23, s22, $0x38;
	[tilespmem:$0x10200] =	vst v63  }
0x87: {  	s1 =	rddreg [dreg:$0x4]  }
0x88: {  	[hbm4b:s1+s22] =	stream.strided.scatter [tilespmem:s26], [sflag:$0x2], $0x4000, s23, s22, $0x38;
	[tilespmem:$0x10200] =	vst v63  }
0x89: {  	_ = 	snop  }
0x8a: {  	[hbm4b:s18+s22] =	stream.strided.scatter [tilespmem:s26], [sflag:$0x2], $0x4000, s23, s22, $0x38;
	[tilespmem:$0x10200] =	vst v63  }
0x8b: {  	_ = 	snop  }
0x8c: {  	[hbm4b:s19+s22] =	stream.strided.scatter [tilespmem:s26], [sflag:$0x2], $0x4000, s23, s22, $0x38;
	[tilespmem:$0x10200] =	vst v63  }
0x8d: {  	_ =	swait.ge [sflag:s24], $0x4000  }
0x8e: {  	[sflag:s24] =	ssyncset.done $0x0  }
0x8f: {  	[sflag:s24] =	ssyncadd.s32 $0xFFFFC000  }
0x90: {  	[hbm4b:s14+s22] =	stream.strided.scatter [tilespmem:s25], [sflag:$0x2], $0x4000, s23, s22, $0x38;
	[tilespmem:$0x10200] =	vst v63  }
0x91: {  	_ = 	snop  }
0x92: {  	[hbm4b:s15+s22] =	stream.strided.scatter [tilespmem:s25], [sflag:$0x2], $0x4000, s23, s22, $0x38;
	[tilespmem:$0x10200] =	vst v63  }
0x93: {  	_ = 	snop  }
0x94: {  	[hbm4b:s16+s22] =	stream.strided.scatter [tilespmem:s25], [sflag:$0x2], $0x4000, s23, s22, $0x38;
	[tilespmem:$0x10200] =	vst v63  }
0x95: {  	_ = 	snop  }
0x96: {  	[hbm4b:s17+s22] =	stream.strided.scatter [tilespmem:s25], [sflag:$0x2], $0x4000, s23, s22, $0x38;
	[tilespmem:$0x10200] =	vst v63  }
0x97: {  	_ =	swait.ge [sflag:s24], $0x4000  }
0x98: {  	[sflag:s24] =	ssyncset.done $0x0  }
0x99: {  	[sflag:s24] =	ssyncadd.s32 $0xFFFFC000  }
0x9a: {  	[hbm4b:s8+s22] =	stream.strided.scatter [tilespmem:s21], [sflag:$0x2], $0x4000, s23, s22, $0x38;
	[tilespmem:$0x10200] =	vst v63  }
0x9b: {  	_ = 	snop  }
0x9c: {  	[hbm4b:s9+s22] =	stream.strided.scatter [tilespmem:s21], [sflag:$0x2], $0x4000, s23, s22, $0x38;
	[tilespmem:$0x10200] =	vst v63  }
0x9d: {  	_ = 	snop  }
0x9e: {  	[hbm4b:s10+s22] =	stream.strided.scatter [tilespmem:s21], [sflag:$0x2], $0x4000, s23, s22, $0x38;
	[tilespmem:$0x10200] =	vst v63  }
0x9f: {  	_ = 	snop  }
0xa0: {  	[hbm4b:s11+s22] =	stream.strided.scatter [tilespmem:s21], [sflag:$0x2], $0x4000, s23, s22, $0x38;
	[tilespmem:$0x10200] =	vst v63  }
0xa1: {  	_ =	swait.ge [sflag:s24], $0x4000  }
0xa2: {  	[sflag:s24] =	ssyncset.done $0x0  }
0xa3: {  	[sflag:s24] =	ssyncadd.s32 $0xFFFFC000  }
0xa4: {  	[hbm4b:s3+s22] =	stream.strided.scatter [tilespmem:s20], [sflag:$0x2], $0x4000, s23, s22, $0x38;
	[tilespmem:$0x10200] =	vst v63  }
0xa5: {  	_ = 	snop  }
0xa6: {  	[hbm4b:s4+s22] =	stream.strided.scatter [tilespmem:s20], [sflag:$0x2], $0x4000, s23, s22, $0x38;
	[tilespmem:$0x10200] =	vst v63  }
0xa7: {  	_ = 	snop  }
0xa8: {  	[hbm4b:s5+s22] =	stream.strided.scatter [tilespmem:s20], [sflag:$0x2], $0x4000, s23, s22, $0x38;
	[tilespmem:$0x10200] =	vst v63  }
0xa9: {  	_ = 	snop  }
0xaa: {  	[hbm4b:s6+s22] =	stream.strided.scatter [tilespmem:s20], [sflag:$0x2], $0x4000, s23, s22, $0x38;
	[tilespmem:$0x10200] =	vst v63  }
0xab: {  	_ =	swait.ge [sflag:s2], $0x4000  }
0xac: {  	[sflag:s2] =	ssyncset.done $0x0  }
0xad: {  	[sflag:s2] =	ssyncadd.s32 $0xFFFFC000  }
0xae: {  	_ =	swait.ge [sflag:s2], $0x4000  }
0xaf: {  	[sflag:s2] =	ssyncset.done $0x0  }
0xb0: {  	[sflag:s2] =	ssyncadd.s32 $0xFFFFC000  }
0xb1: {  	_ =	swait.ge [sflag:s2], $0x4000  }
0xb2: {  	[sflag:s2] =	ssyncset.done $0x0  }
0xb3: {  	[sflag:s2] =	ssyncadd.s32 $0xFFFFC000  }
0xb4: {  	_ =	swait.ge [sflag:s2], $0x4000  }
0xb5: {  	[sflag:s2] =	ssyncset.done $0x0  }
0xb6: {  	[sflag:s2] =	ssyncadd.s32 $0xFFFFC000  }
0xb7: {  	_ =	swait.ge [sflag:s2], $0x4000  }
0xb8: {  	[sflag:s2] =	ssyncset.done $0x0  }
0xb9: {  	[sflag:s2] =	ssyncadd.s32 $0xFFFFC000  }
0xba: {  	_ =	swait.ge [sflag:s2], $0x4000  }
0xbb: {  	[sflag:s2] =	ssyncset.done $0x0  }
0xbc: {  	[sflag:s2] =	ssyncadd.s32 $0xFFFFC000  }
0xbd: {  	_ =	swait.ge [sflag:s2], $0x4000  }
0xbe: {  	[sflag:s2] =	ssyncset.done $0x0  }
0xbf: {  	[sflag:s2] =	ssyncadd.s32 $0xFFFFC000  }
0xc0: {  	_ =	swait.ge [sflag:s2], $0x4000  }
0xc1: {  	[sflag:s2] =	ssyncset.done $0x0  }
0xc2: {  	[sflag:s2] =	ssyncadd.s32 $0xFFFFC000  }
0xc3: {  	_ =	swait.ge [sflag:s2], $0x4000  }
0xc4: {  	[sflag:s2] =	ssyncset.done $0x0  }
0xc5: {  	[sflag:s2] =	ssyncadd.s32 $0xFFFFC000  }
0xc6: {  	_ =	swait.ge [sflag:s2], $0x4000  }
0xc7: {  	[sflag:s2] =	ssyncset.done $0x0  }
0xc8: {  	[sflag:s2] =	ssyncadd.s32 $0xFFFFC000  }
0xc9: {  	_ =	swait.ge [sflag:s2], $0x4000  }
0xca: {  	[sflag:s2] =	ssyncset.done $0x0  }
0xcb: {  	[sflag:s2] =	ssyncadd.s32 $0xFFFFC000  }
0xcc: {  	_ =	swait.ge [sflag:s2], $0x4000  }
0xcd: {  	[sflag:s2] =	ssyncset.done $0x0  }
0xce: {  	[sflag:s2] =	ssyncadd.s32 $0xFFFFC000  }
0xcf: {  	_ =	swait.ge [sflag:s2], $0x4000  }
0xd0: {  	[sflag:s2] =	ssyncset.done $0x0  }
0xd1: {  	[sflag:s2] =	ssyncadd.s32 $0xFFFFC000  }
0xd2: {  	_ =	swait.ge [sflag:s2], $0x4000  }
0xd3: {  	[sflag:s2] =	ssyncset.done $0x0  }
0xd4: {  	p1 =	sne.s32 s0, $0x1;
	[sflag:s2] =	ssyncadd.s32 $0xFFFFC000  }
.Ltmp2:
0xd5: {  	_ =	swait.ge [sflag:s2], $0x4000;
	(pc) =	sbr.rel @p1 .LBB2_2-.Ltmp2, $4  }
0xd6: {  	[sflag:s2] =	ssyncset.done $0x0  }
0xd7: {  	[sflag:s2] =	ssyncadd.s32 $0xFFFFC000  }
0xd8: {  	_ =	swait.ge [sflag:s2], $0x4000  }
0xd9: {  	s0 =	sadd.s32 $0xFFFFFFFF, s0;
	s1 =	rddreg [dreg:$0x3];
	[sflag:s2] =	ssyncset.done $0x0  }
.LBB2_3:
0xda: {  	[sflag:s2] =	ssyncadd.s32 @p0 $0xFFFFC000  }
0xdb: {  	[tilespmem:s7], [sflag:$0x3] =	stream.linear.gather [hbm4b:s1+s7], $0x200, $0x38;
	[tilespmem:$0x10200] =	vst v63  }
0xdc: {  	_ =	swait.ge [sflag:s29], $0x200  }
0xdd: {  	[sflag:s29] =	ssyncset.done $0x0  }
0xde: {  	[sflag:s29] =	ssyncadd.s32 $0xFFFFFE00  }
0xdf: {  	[tilespmem:s26], [sflag:$0x1] =	stream.indirect.gather [hbm4b:s13+s28], $0x80, s7, s28, $0xb8;
	[tilespmem:$0x10200] =	vst v63  }
0xe0: {  	_ = 	snop  }
0xe1: {  	[tilespmem:s25], [sflag:$0x1] =	stream.indirect.gather [hbm4b:s13+s28], $0x80, s28, s28, $0xb8;
	[tilespmem:$0x10200] =	vst v63  }
0xe2: {  	_ = 	snop  }
0xe3: {  	[tilespmem:s21], [sflag:$0x1] =	stream.indirect.gather [hbm4b:s13+s28], $0x80, s30, s28, $0xb8;
	[tilespmem:$0x10200] =	vst v63  }
0xe4: {  	_ = 	snop  }
0xe5: {  	[tilespmem:s20], [sflag:$0x1] =	stream.indirect.gather [hbm4b:s13+s28], $0x80, s31, s28, $0xb8;
	[tilespmem:$0x10200] =	vst v63  }
0xe6: {  	_ =	swait.ge [sflag:s24], $0x4000  }
0xe7: {  	[sflag:s24] =	ssyncset.done $0x0  }
0xe8: {  	[sflag:s24] =	ssyncadd.s32 $0xFFFFC000  }
0xe9: {  	[hbm4b:s12+s22] =	stream.strided.scatter [tilespmem:s26], [sflag:$0x2], $0x4000, s23, s22, $0x38;
	[tilespmem:$0x10200] =	vst v63  }
0xea: {  	s0 =	rddreg [dreg:$0x4]  }
0xeb: {  	[hbm4b:s0+s22] =	stream.strided.scatter [tilespmem:s26], [sflag:$0x2], $0x4000, s23, s22, $0x38;
	[tilespmem:$0x10200] =	vst v63  }
0xec: {  	_ = 	snop  }
0xed: {  	[hbm4b:s18+s22] =	stream.strided.scatter [tilespmem:s26], [sflag:$0x2], $0x4000, s23, s22, $0x38;
	[tilespmem:$0x10200] =	vst v63  }
0xee: {  	_ = 	snop  }
0xef: {  	[hbm4b:s19+s22] =	stream.strided.scatter [tilespmem:s26], [sflag:$0x2], $0x4000, s23, s22, $0x38;
	[tilespmem:$0x10200] =	vst v63  }
0xf0: {  	_ =	swait.ge [sflag:s24], $0x4000  }
0xf1: {  	[sflag:s24] =	ssyncset.done $0x0  }
0xf2: {  	[sflag:s24] =	ssyncadd.s32 $0xFFFFC000  }
0xf3: {  	[hbm4b:s14+s22] =	stream.strided.scatter [tilespmem:s25], [sflag:$0x2], $0x4000, s23, s22, $0x38;
	[tilespmem:$0x10200] =	vst v63  }
0xf4: {  	_ = 	snop  }
0xf5: {  	[hbm4b:s15+s22] =	stream.strided.scatter [tilespmem:s25], [sflag:$0x2], $0x4000, s23, s22, $0x38;
	[tilespmem:$0x10200] =	vst v63  }
0xf6: {  	_ = 	snop  }
0xf7: {  	[hbm4b:s16+s22] =	stream.strided.scatter [tilespmem:s25], [sflag:$0x2], $0x4000, s23, s22, $0x38;
	[tilespmem:$0x10200] =	vst v63  }
0xf8: {  	_ = 	snop  }
0xf9: {  	[hbm4b:s17+s22] =	stream.strided.scatter [tilespmem:s25], [sflag:$0x2], $0x4000, s23, s22, $0x38;
	[tilespmem:$0x10200] =	vst v63  }
0xfa: {  	_ =	swait.ge [sflag:s24], $0x4000  }
0xfb: {  	[sflag:s24] =	ssyncset.done $0x0  }
0xfc: {  	[sflag:s24] =	ssyncadd.s32 $0xFFFFC000  }
0xfd: {  	[hbm4b:s8+s22] =	stream.strided.scatter [tilespmem:s21], [sflag:$0x2], $0x4000, s23, s22, $0x38;
	[tilespmem:$0x10200] =	vst v63  }
0xfe: {  	_ = 	snop  }
0xff: {  	[hbm4b:s9+s22] =	stream.strided.scatter [tilespmem:s21], [sflag:$0x2], $0x4000, s23, s22, $0x38;
	[tilespmem:$0x10200] =	vst v63  }
0x100: {  	_ = 	snop  }
0x101: {  	[hbm4b:s10+s22] =	stream.strided.scatter [tilespmem:s21], [sflag:$0x2], $0x4000, s23, s22, $0x38;
	[tilespmem:$0x10200] =	vst v63  }
0x102: {  	_ = 	snop  }
0x103: {  	[hbm4b:s11+s22] =	stream.strided.scatter [tilespmem:s21], [sflag:$0x2], $0x4000, s23, s22, $0x38;
	[tilespmem:$0x10200] =	vst v63  }
0x104: {  	_ =	swait.ge [sflag:s24], $0x4000  }
0x105: {  	[sflag:s24] =	ssyncset.done $0x0  }
0x106: {  	[sflag:s24] =	ssyncadd.s32 $0xFFFFC000  }
0x107: {  	[hbm4b:s3+s22] =	stream.strided.scatter [tilespmem:s20], [sflag:$0x2], $0x4000, s23, s22, $0x38;
	[tilespmem:$0x10200] =	vst v63  }
0x108: {  	_ = 	snop  }
0x109: {  	[hbm4b:s4+s22] =	stream.strided.scatter [tilespmem:s20], [sflag:$0x2], $0x4000, s23, s22, $0x38;
	[tilespmem:$0x10200] =	vst v63  }
0x10a: {  	_ = 	snop  }
0x10b: {  	[hbm4b:s5+s22] =	stream.strided.scatter [tilespmem:s20], [sflag:$0x2], $0x4000, s23, s22, $0x38;
	[tilespmem:$0x10200] =	vst v63  }
0x10c: {  	_ = 	snop  }
0x10d: {  	[hbm4b:s6+s22] =	stream.strided.scatter [tilespmem:s20], [sflag:$0x2], $0x4000, s23, s22, $0x38;
	[tilespmem:$0x10200] =	vst v63  }
0x10e: {  	_ =	swait.ge [sflag:s2], $0x4000  }
0x10f: {  	[sflag:s2] =	ssyncset.done $0x0  }
0x110: {  	[sflag:s2] =	ssyncadd.s32 $0xFFFFC000  }
0x111: {  	_ =	swait.ge [sflag:s2], $0x4000  }
0x112: {  	[sflag:s2] =	ssyncset.done $0x0  }
0x113: {  	[sflag:s2] =	ssyncadd.s32 $0xFFFFC000  }
0x114: {  	_ =	swait.ge [sflag:s2], $0x4000  }
0x115: {  	[sflag:s2] =	ssyncset.done $0x0  }
0x116: {  	[sflag:s2] =	ssyncadd.s32 $0xFFFFC000  }
0x117: {  	_ =	swait.ge [sflag:s2], $0x4000  }
0x118: {  	[sflag:s2] =	ssyncset.done $0x0  }
0x119: {  	[sflag:s2] =	ssyncadd.s32 $0xFFFFC000  }
0x11a: {  	_ =	swait.ge [sflag:s2], $0x4000  }
0x11b: {  	[sflag:s2] =	ssyncset.done $0x0  }
0x11c: {  	[sflag:s2] =	ssyncadd.s32 $0xFFFFC000  }
0x11d: {  	_ =	swait.ge [sflag:s2], $0x4000  }
0x11e: {  	[sflag:s2] =	ssyncset.done $0x0  }
0x11f: {  	[sflag:s2] =	ssyncadd.s32 $0xFFFFC000  }
0x120: {  	_ =	swait.ge [sflag:s2], $0x4000  }
0x121: {  	[sflag:s2] =	ssyncset.done $0x0  }
0x122: {  	[sflag:s2] =	ssyncadd.s32 $0xFFFFC000  }
0x123: {  	_ =	swait.ge [sflag:s2], $0x4000  }
0x124: {  	[sflag:s2] =	ssyncset.done $0x0  }
0x125: {  	[sflag:s2] =	ssyncadd.s32 $0xFFFFC000  }
0x126: {  	_ =	swait.ge [sflag:s2], $0x4000  }
0x127: {  	[sflag:s2] =	ssyncset.done $0x0  }
0x128: {  	[sflag:s2] =	ssyncadd.s32 $0xFFFFC000  }
0x129: {  	_ =	swait.ge [sflag:s2], $0x4000  }
0x12a: {  	[sflag:s2] =	ssyncset.done $0x0  }
0x12b: {  	[sflag:s2] =	ssyncadd.s32 $0xFFFFC000  }
0x12c: {  	_ =	swait.ge [sflag:s2], $0x4000  }
0x12d: {  	[sflag:s2] =	ssyncset.done $0x0  }
0x12e: {  	[sflag:s2] =	ssyncadd.s32 $0xFFFFC000  }
0x12f: {  	_ =	swait.ge [sflag:s2], $0x4000  }
0x130: {  	[sflag:s2] =	ssyncset.done $0x0  }
0x131: {  	[sflag:s2] =	ssyncadd.s32 $0xFFFFC000  }
0x132: {  	_ =	swait.ge [sflag:s2], $0x4000  }
0x133: {  	[sflag:s2] =	ssyncset.done $0x0  }
0x134: {  	[sflag:s2] =	ssyncadd.s32 $0xFFFFC000  }
0x135: {  	_ =	swait.ge [sflag:s2], $0x4000  }
0x136: {  	[sflag:s2] =	ssyncset.done $0x0  }
0x137: {  	[sflag:s2] =	ssyncadd.s32 $0xFFFFC000  }
0x138: {  	_ =	swait.ge [sflag:s2], $0x4000  }
0x139: {  	[sflag:s2] =	ssyncset.done $0x0  }
0x13a: {  	[sflag:s2] =	ssyncadd.s32 $0xFFFFC000  }
0x13b: {  	_ =	swait.ge [sflag:s2], $0x4000  }
0x13c: {  	[sflag:s2] =	ssyncset.done $0x0  }
0x13d: {  	[sflag:s2] =	ssyncadd.s32 $0xFFFFC000  }
0x13e: {  	_ =	sfence.sel $0x180000  }
0x13f: {  	[bflag:$0x0] =	sbarrier.arrive $0xFFFF  }
0x140: {  	_ =	strace $0x90000047  }
0x141: {  	s31 =	stileid.u32;
	[bflag:$0x2] =	sbarrier.arrive $0xFFFF  }
0x142: {  	p0 =	sne.s32 s31, $0x0;
	s0 =	rddreg [dreg:$0x2]  }
0x143: {  	s0 =	sadd.s32 @!p0 $0x100000, s0  }
0x144: {  	[sflag:s0] =	ssyncadd.tile.s32 @!p0 $0x1;
	_ =	shalt  }
.Lfunc_end2:
_tile_overlayer_lowered:
.L_overlay_start_2:
0x145: {  	(tag) =	ssettag $0x2  }
0x146: {  	s0 =	rddreg [dreg:$0x0];
	s2 =	stileid.u32  }
0x147: {  	s1 =	rddreg [dreg:$0x1];
	p0 =	sne.s32 s2, $0x0  }
0x148: {  	s3 =	rddreg [dreg:$0x2];
	[bflag:$0x3] =	sbarrier.arrive $0xFFFF;
	s2 =	simm.s32 @!p0 $0x1C03  }
0x149: {  	[timem:s3], [sflag:s2] =	dma.local @!p0 [hbm:s0], s1  }
0x14a: {  	s0 =	simm.s32 @!p0 $0x3  }
0x14b: {  	_ =	swait.ge @!p0 [sflag:s0], s1  }
0x14c: {  	s1 =	ssub.s32 @!p0 $0x0, s1;
	[sflag:s0] =	ssyncset.done @!p0 $0x0  }
0x14d: {  	[sflag:s0] =	ssyncadd.s32 @!p0 s1  }
0x14e: {  	[bflag:$0x3] =	sbarrier.arrive $0xFFFF  }
0x14f: {  	_ =	shalt  }

</sc_bundles>
